<compile_context>
chip_gen: v7x
topology: tpu7x:2x2x1
jax: 0.10.2.dev20260603
libtpu: 0.0.44.dev20260713+nightly
codegen_flags: <defaults>
</compile_context>

<pallas_src>
import jax
import jax.numpy as jnp
from jax import lax
from jax.experimental import pallas as pl
from jax.experimental.pallas import tpu as pltpu
from jax.experimental.pallas import tpu_sc as plsc

_B = 4
_N = 1024
_H = 128
_W = 128
_M = _H * _W
_T = 2048
_NT = _M // _T
_C = 2048
_NCHUNK = _M // _C
_GRAIN = 256
_NC = 2
_NS = 16


def _compact_body(mask_hbm, px_hbm, py_hbm, w_hbm, meta_hbm,
                  mask_v, px_v, py_v, w_v, stage_v, cnt_smem):
    c = lax.axis_index("c")
    s = lax.axis_index("s")
    b = c * (_B // _NC) + s // _NCHUNK
    k = s % _NCHUNK
    leader = (s // _NCHUNK) * _NCHUNK

    cnt_smem[0] = 0
    plsc.subcore_barrier()

    pltpu.sync_copy(mask_hbm.at[pl.ds(pl.multiple_of(b * _M + k * _C, 256), _C)], mask_v)

    ones16 = jnp.ones((16,), jnp.float32)
    lanes = lax.iota(jnp.int32, 16)
    base = k * _C

    def body(j, cnt):
        m = mask_v[pl.ds(j * 16, 16)]
        valid = m > 0
        gi = base + j * 16 + lanes
        x = gi & (_W - 1)
        y = gi >> 7
        pxv = x.astype(jnp.float32) * (1.0 / _W)
        pyv = y.astype(jnp.float32) * (1.0 / _H)
        mc = jnp.minimum(m, 1)
        pos = plsc.cumsum(mc)
        idx = cnt + pos - 1
        plsc.store_scatter(px_v, [idx], pxv, mask=valid)
        plsc.store_scatter(py_v, [idx], pyv, mask=valid)
        plsc.store_scatter(w_v, [idx], ones16, mask=valid)
        return cnt + jnp.sum(mc)

    cnt = lax.fori_loop(0, _C // 16, body, jnp.int32(0))

    nblk = (cnt + _GRAIN - 1) // _GRAIN

    def pad_body(j, carry):
        cur = w_v[pl.ds(j * 16, 16)]
        keep = (j * 16 + lanes) < cnt
        w_v[pl.ds(j * 16, 16)] = jnp.where(keep, cur, 0.0)
        return carry

    lax.fori_loop(cnt // 16, (nblk * _GRAIN) // 16, pad_body, 0)

    off = plsc.fetch_and_add(cnt_smem.at[0], nblk * _GRAIN,
                             subcore_id=leader)

    def dma_body(j, carry):
        src = pl.ds(j * _GRAIN, _GRAIN)
        dst = pl.ds(pl.multiple_of(b * _M + off + j * _GRAIN, 256), _GRAIN)
        pltpu.sync_copy(px_v.at[src], px_hbm.at[dst])
        pltpu.sync_copy(py_v.at[src], py_hbm.at[dst])
        pltpu.sync_copy(w_v.at[src], w_hbm.at[dst])
        return carry

    lax.fori_loop(0, nblk, dma_body, 0)

    plsc.subcore_barrier()

    @pl.when(s == leader)
    def _():
        stage_v[...] = jnp.full((16,), cnt_smem[0], jnp.int32)
        pltpu.sync_copy(stage_v.at[pl.ds(0, 8)], meta_hbm.at[pl.ds(pl.multiple_of(b * 8, 8), 8)])


def _compact(mask_flat):
    f32 = jnp.float32
    out = pl.kernel(
        _compact_body,
        out_type=(
            jax.ShapeDtypeStruct((_B * _M,), f32),
            jax.ShapeDtypeStruct((_B * _M,), f32),
            jax.ShapeDtypeStruct((_B * _M,), f32),
            jax.ShapeDtypeStruct((_B * 8,), jnp.int32),
        ),
        mesh=plsc.VectorSubcoreMesh(
            core_axis_name="c", subcore_axis_name="s",
            num_cores=_NC, num_subcores=_NS,
        ),
        compiler_params=pltpu.CompilerParams(needs_layout_passes=False),
        scratch_types=[
            pltpu.VMEM((_C,), jnp.int32),
            pltpu.VMEM((_C,), f32),
            pltpu.VMEM((_C,), f32),
            pltpu.VMEM((_C,), f32),
            pltpu.VMEM((16,), jnp.int32),
            pltpu.SMEM((1,), jnp.int32),
        ],
    )(mask_flat)
    return out


def _chamfer_body(meta_ref, a_ref, px_ref, py_ref, w_ref,
                  out_ref, minb_ref, acc_ref):
    i = pl.program_id(0)

    @pl.when(i == 0)
    def _():
        acc_ref[0] = jnp.float32(0.0)

    total = meta_ref[i, 0]
    nt = (total + _T - 1) // _T

    vraw = a_ref[0]
    colc = jnp.where(
        lax.broadcasted_iota(jnp.int32, (_N, 2), 1) == 0,
        jnp.float32(1.0 / _W), jnp.float32(1.0 / _H))
    v = vraw * colc
    vn = jnp.sum(v * v, axis=1, keepdims=True)
    a = jnp.concatenate([-2.0 * v, vn, jnp.ones((_N, 1), jnp.float32)],
                        axis=1)

    minb_ref[...] = jnp.full((_N, 128), jnp.inf, dtype=jnp.float32)

    ones_row = jnp.ones((1, _T), jnp.float32)

    def tile_body(t, acc):
        gidx = lax.broadcasted_iota(jnp.int32, (1, _T), 1) + t * _T
        nrow = _T // 128
        w_row = w_ref[0, pl.ds(t * nrow, nrow), :].reshape(1, _T)
        colmask = jnp.logical_and(w_row > 0.0, gidx < total)
        px = jnp.where(
            colmask, px_ref[0, pl.ds(t * nrow, nrow), :].reshape(1, _T), 0.25)
        py = jnp.where(
            colmask, py_ref[0, pl.ds(t * nrow, nrow), :].reshape(1, _T), 0.25)
        gn_inf = (px * px + py * py) + jnp.where(colmask, 0.0, jnp.inf)

        rhs = jnp.concatenate([px, py, ones_row, gn_inf], axis=0)
        f = jnp.dot(a, rhs, preferred_element_type=jnp.float32)

        min_a = jnp.min(f, axis=0, keepdims=True)
        dist_a = jnp.sqrt(jnp.maximum(min_a, 0.0))

        fold = f[:, 0:128]
        for c in range(1, _T // 128):
            fold = jnp.minimum(fold, f[:, c * 128:(c + 1) * 128])
        minb_ref[...] = jnp.minimum(minb_ref[...], fold)

        return acc + jnp.sum(jnp.where(colmask, dist_a, 0.0))

    sum_a = lax.fori_loop(0, nt, tile_body, jnp.float32(0.0))

    minb_vec = jnp.min(minb_ref[...], axis=1)
    acc_ref[0] += sum_a + jnp.sum(jnp.sqrt(jnp.maximum(minb_vec, 0.0)))

    @pl.when(i == _B - 1)
    def _():
        out_ref[...] = acc_ref[0].reshape(1, 1)


def kernel(vert2d, mask):
    px, py, w, meta = _compact(mask.reshape(_B * _M))
    meta = meta.reshape(_B, 8)
    px3 = px.reshape(_B, _M // 128, 128)
    py3 = py.reshape(_B, _M // 128, 128)
    w3 = w.reshape(_B, _M // 128, 128)

    tile_spec = pl.BlockSpec((1, _M // 128, 128), lambda i: (i, 0, 0))
    out = pl.pallas_call(
        _chamfer_body,
        grid=(_B,),
        in_specs=[
            pl.BlockSpec(memory_space=pltpu.SMEM),
            pl.BlockSpec((1, _N, 2), lambda i: (i, 0, 0)),
            tile_spec,
            tile_spec,
            tile_spec,
        ],
        out_specs=pl.BlockSpec((1, 1), lambda i: (0, 0)),
        out_shape=jax.ShapeDtypeStruct((1, 1), jnp.float32),
        scratch_shapes=[
            pltpu.VMEM((_N, 128), jnp.float32),
            pltpu.SMEM((1,), jnp.float32),
        ],
    )(meta, vert2d, px3, py3, w3)
    return out[0, 0]

# --- scband reference (transcript-rebuilt; emitter-appended) ---
"""Pipeline reference for scband-mask-alignment-loss-37271726195151 (READ-ONLY COPY).

The authoritative reference and input builder live on the scoring server;
editing this copy changes nothing except your own understanding.
"""

import jax, jax.numpy as jnp
import numpy as np


def setup_inputs(seed: int = 0) -> dict:
    key = jax.random.key(seed)
    k1, k2 = jax.random.split(key)
    vert2d = jax.random.normal(k1, (4, 1024, 2), dtype=jnp.float32)
    mask = jax.random.randint(k2, (4, 128, 128), 0, 2).astype(jnp.int32)
    return {"vert2d": vert2d, "mask": mask}


def reference(vert2d, mask):
    B, H, W = mask.shape
    scale = jnp.array([W, H], dtype=jnp.float32)
    v = vert2d / scale[None, None, :]
    yy, xx = jnp.meshgrid(jnp.arange(H), jnp.arange(W), indexing="ij")
    grid_points = jnp.stack([xx.ravel(), yy.ravel()], axis=1).astype(jnp.float32) / scale[None, :]
    loss = jnp.float32(0.0)
    for i in range(B):
        valid = (mask[i] > 0).ravel()
        dist_mat = jnp.linalg.norm(v[i][:, None, :] - grid_points[None, :, :], axis=2)
        min_per_point = jnp.min(dist_mat, axis=0)
        masked_dist = jnp.where(valid[None, :], dist_mat, jnp.inf)
        loss = loss + jnp.sum(jnp.where(valid, min_per_point, 0.0)) + jnp.min(masked_dist, axis=1).sum()
    return 1.0 * loss

if __name__ == "__main__":
    import jax
    _d = setup_inputs()
    print(jax.jit(kernel)(*tuple(_d.values())))

</pallas_src>

<mosaic_0001>
#map = affine_map<(d0, d1) -> (0)>
module attributes {stable_mosaic.version = 14 : i64} {
  func.func @_compact_body(%arg0: i32, %arg1: i32, %arg2: memref<65536xi32, #tpu.memory_space<hbm>>, %arg3: memref<65536xf32, #tpu.memory_space<hbm>>, %arg4: memref<65536xf32, #tpu.memory_space<hbm>>, %arg5: memref<65536xf32, #tpu.memory_space<hbm>>, %arg6: memref<32xi32, #tpu.memory_space<hbm>>, %arg7: memref<2048xi32, #tpu.memory_space<vmem>>, %arg8: memref<2048xf32, #tpu.memory_space<vmem>>, %arg9: memref<2048xf32, #tpu.memory_space<vmem>>, %arg10: memref<2048xf32, #tpu.memory_space<vmem>>, %arg11: memref<16xi32, #tpu.memory_space<vmem>>, %arg12: memref<1xi32, #tpu.memory_space<smem>>) attributes {dimension_semantics = [#tpu.dimension_semantics<core_parallel>, #tpu.dimension_semantics<subcore_parallel>], iteration_bounds = array<i64: 2, 16>, scalar_prefetch = 0 : i64, scratch_operands = 6 : i64, tpu.core_type = #tpu.core_type<sc_vector_subcore>, window_params = [{transform_indices = #map}, {transform_indices = #map}, {transform_indices = #map}, {transform_indices = #map}, {transform_indices = #map}]} {
    %mul3A = arith.constant 2 : i32
    %mul3A_0 = arith.muli %arg0, %mul3A : i32
    %jit3A = arith.constant 8 : i32
    %div3A = arith.divsi %arg1, %jit3A : i32
    %sign3A = arith.constant 0 : i32
    %sign3A_1 = arith.cmpi sgt, %arg1, %sign3A : i32
    %sign3A_2 = arith.extui %sign3A_1 : i1 to i32
    %sign3A_3 = arith.constant 0 : i32
    %sign3A_4 = arith.cmpi slt, %arg1, %sign3A_3 : i32
    %sign3A_5 = arith.extui %sign3A_4 : i1 to i32
    %sign3A_6 = arith.subi %sign3A_2, %sign3A_5 : i32
    %sign3A_7 = arith.constant 0 : i32
    %sign3A_8 = arith.cmpi sgt, %jit3A, %sign3A_7 : i32
    %sign3A_9 = arith.extui %sign3A_8 : i1 to i32
    %sign3A_10 = arith.constant 0 : i32
    %sign3A_11 = arith.cmpi slt, %jit3A, %sign3A_10 : i32
    %sign3A_12 = arith.extui %sign3A_11 : i1 to i32
    %sign3A_13 = arith.subi %sign3A_9, %sign3A_12 : i32
    %ne3A = arith.cmpi ne, %sign3A_6, %sign3A_13 : i32
    %rem3A = arith.remsi %arg1, %jit3A : i32
    %ne3A_14 = arith.constant 0 : i32
    %ne3A_15 = arith.cmpi ne, %rem3A, %ne3A_14 : i32
    %and3A = arith.andi %ne3A, %ne3A_15 : i1
    %sub3A = arith.constant 1 : i32
    %sub3A_16 = arith.subi %div3A, %sub3A : i32
    %select_n3A = arith.select %and3A, %sub3A_16, %div3A : i32
    %add3A = arith.addi %mul3A_0, %select_n3A : i32
    %jit3A_17 = arith.constant 8 : i32
    %eq3A = arith.constant 0 : i32
    %eq3A_18 = arith.cmpi eq, %jit3A_17, %eq3A : i32
    %jit3A_19 = arith.constant 1 : i32
    %select_n3A_20 = arith.select %eq3A_18, %jit3A_19, %jit3A_17 : i32
    %rem3A_21 = arith.remsi %arg1, %select_n3A_20 : i32
    %ne3A_22 = arith.constant 0 : i32
    %ne3A_23 = arith.cmpi ne, %rem3A_21, %ne3A_22 : i32
    %lt3A = arith.constant 0 : i32
    %lt3A_24 = arith.cmpi slt, %rem3A_21, %lt3A : i32
    %lt3A_25 = arith.constant 0 : i32
    %lt3A_26 = arith.cmpi slt, %select_n3A_20, %lt3A_25 : i32
    %ne3A_27 = arith.xori %lt3A_24, %lt3A_26 : i1
    %and3A_28 = arith.andi %ne3A_27, %ne3A_23 : i1
    %add3A_29 = arith.addi %rem3A_21, %select_n3A_20 : i32
    %select_n3A_30 = arith.select %and3A_28, %add3A_29, %rem3A_21 : i32
    %jit3A_31 = arith.constant 8 : i32
    %div3A_32 = arith.divsi %arg1, %jit3A_31 : i32
    %sign3A_33 = arith.constant 0 : i32
    %sign3A_34 = arith.cmpi sgt, %arg1, %sign3A_33 : i32
    %sign3A_35 = arith.extui %sign3A_34 : i1 to i32
    %sign3A_36 = arith.constant 0 : i32
    %sign3A_37 = arith.cmpi slt, %arg1, %sign3A_36 : i32
    %sign3A_38 = arith.extui %sign3A_37 : i1 to i32
    %sign3A_39 = arith.subi %sign3A_35, %sign3A_38 : i32
    %sign3A_40 = arith.constant 0 : i32
    %sign3A_41 = arith.cmpi sgt, %jit3A_31, %sign3A_40 : i32
    %sign3A_42 = arith.extui %sign3A_41 : i1 to i32
    %sign3A_43 = arith.constant 0 : i32
    %sign3A_44 = arith.cmpi slt, %jit3A_31, %sign3A_43 : i32
    %sign3A_45 = arith.extui %sign3A_44 : i1 to i32
    %sign3A_46 = arith.subi %sign3A_42, %sign3A_45 : i32
    %ne3A_47 = arith.cmpi ne, %sign3A_39, %sign3A_46 : i32
    %rem3A_48 = arith.remsi %arg1, %jit3A_31 : i32
    %ne3A_49 = arith.constant 0 : i32
    %ne3A_50 = arith.cmpi ne, %rem3A_48, %ne3A_49 : i32
    %and3A_51 = arith.andi %ne3A_47, %ne3A_50 : i1
    %sub3A_52 = arith.constant 1 : i32
    %sub3A_53 = arith.subi %div3A_32, %sub3A_52 : i32
    %select_n3A_54 = arith.select %and3A_51, %sub3A_53, %div3A_32 : i32
    %mul3A_55 = arith.constant 8 : i32
    %mul3A_56 = arith.muli %select_n3A_54, %mul3A_55 : i32
    %swap3A = arith.constant 0 : i32
    %swap3A_57 = arith.constant 0 : i32
    %swap3A_58 = arith.index_cast %swap3A_57 : i32 to index
    %swap3A_59 = memref.load %arg12[%swap3A_58] : memref<1xi32, #tpu.memory_space<smem>>
    memref.store %swap3A, %arg12[%swap3A_58] : memref<1xi32, #tpu.memory_space<smem>>
    %barrier3A = arith.constant 0 : index
    tpu.barrier barrier_id(%barrier3A)
    %mul3A_60 = arith.constant 16384 : i32
    %mul3A_61 = arith.muli %add3A, %mul3A_60 : i32
    %mul3A_62 = arith.constant 2048 : i32
    %mul3A_63 = arith.muli %select_n3A_30, %mul3A_62 : i32
    %add3A_64 = arith.addi %mul3A_61, %mul3A_63 : i32
    %multiple_of3A = tpu.assume_multiple %add3A_64, 256 : i32
    "tpu.region"() ({
      %run_scoped3A = tpu.sem_alloc : memref<!tpu.dma_semaphore, #tpu.memory_space<semaphore_mem>>
      %dma_start3A = tpu.memref_slice %arg2[%multiple_of3A] : memref<65536xi32, #tpu.memory_space<hbm>> -> memref<2048xi32, #tpu.memory_space<hbm>>
      %dma_start3A_176 = tpu.memref_slice %arg2[%multiple_of3A] : memref<65536xi32, #tpu.memory_space<hbm>> -> memref<2048xi32, #tpu.memory_space<hbm>>
      tpu.enqueue_dma source(%dma_start3A_176 : memref<2048xi32, #tpu.memory_space<hbm>>) target(%arg7 : memref<2048xi32, #tpu.memory_space<vmem>>) target_semaphore(%run_scoped3A : memref<!tpu.dma_semaphore, #tpu.memory_space<semaphore_mem>>)
      %dma_wait3A = tpu.memref_slice %arg2[%multiple_of3A] : memref<65536xi32, #tpu.memory_space<hbm>> -> memref<2048xi32, #tpu.memory_space<hbm>>
      %dma_wait3A_177 = tpu.memref_slice %arg2[%multiple_of3A] : memref<65536xi32, #tpu.memory_space<hbm>> -> memref<2048xi32, #tpu.memory_space<hbm>>
      tpu.wait_dma2 semaphore(%run_scoped3A : memref<!tpu.dma_semaphore, #tpu.memory_space<semaphore_mem>>) src(%dma_wait3A_177 : memref<2048xi32, #tpu.memory_space<hbm>>) dst(%arg7 : memref<2048xi32, #tpu.memory_space<vmem>>)
      tpu.yield
    }) : () -> ()
    %broadcast_in_dim3A = arith.constant 1.000000e+00 : f32
    %broadcast_in_dim3A_65 = vector.broadcast %broadcast_in_dim3A : f32 to vector<16xf32>
    %iota3A = tpu.iota {dimensions = array<i32: 0>} : vector<16xi32>
    %mul3A_66 = arith.constant 2048 : i32
    %mul3A_67 = arith.muli %select_n3A_30, %mul3A_66 : i32
    %scan3A = arith.constant 0 : i32
    %scan3A_68 = arith.constant 0 : i32
    %scan3A_69 = arith.constant 128 : i32
    %scan3A_70 = arith.addi %scan3A_68, %scan3A_69 : i32
    %scan3A_71 = arith.constant 1 : i32
    %scan3A_72 = scf.for %scan3A_176 = %scan3A_68 to %scan3A_70 step %scan3A_71 iter_args(%scan3A_177 = %scan3A) -> (i32)  : i32 {
      %mul3A_178 = arith.constant 16 : i32
      %mul3A_179 = arith.muli %scan3A_176, %mul3A_178 : i32
      %get3A = arith.index_cast %mul3A_179 : i32 to index
      %get3A_180 = tpu.vector_load %arg7[%get3A] {strides = array<i32>} : memref<2048xi32, #tpu.memory_space<vmem>>, vector<16xi32>,
      %gt3A = arith.constant 0 : i32
      %gt3A_181 = vector.broadcast %gt3A : i32 to vector<16xi32>
      %gt3A_182 = arith.cmpi sgt, %get3A_180, %gt3A_181 : vector<16xi32>
      %mul3A_183 = arith.constant 16 : i32
      %mul3A_184 = arith.muli %scan3A_176, %mul3A_183 : i32
      %add3A_185 = arith.addi %mul3A_67, %mul3A_184 : i32
      %add3A_186 = vector.broadcast %add3A_185 : i32 to vector<16xi32>
      %add3A_187 = arith.addi %add3A_186, %iota3A : vector<16xi32>
      %and3A_188 = arith.constant 127 : i32
      %and3A_189 = vector.broadcast %and3A_188 : i32 to vector<16xi32>
      %and3A_190 = arith.andi %add3A_187, %and3A_189 : vector<16xi32>
      %shift_right_arithmetic3A = arith.constant 7 : i32
      %shift_right_arithmetic3A_191 = vector.broadcast %shift_right_arithmetic3A : i32 to vector<16xi32>
      %shift_right_arithmetic3A_192 = arith.shrsi %add3A_187, %shift_right_arithmetic3A_191 : vector<16xi32>
      %convert_element_type3A_193 = arith.sitofp %and3A_190 : vector<16xi32> to vector<16xf32>
      %mul3A_194 = arith.constant 7.812500e-03 : f32
      %mul3A_195 = vector.broadcast %mul3A_194 : f32 to vector<16xf32>
      %mul3A_196 = arith.mulf %convert_element_type3A_193, %mul3A_195 : vector<16xf32>
      %convert_element_type3A_197 = arith.sitofp %shift_right_arithmetic3A_192 : vector<16xi32> to vector<16xf32>
      %mul3A_198 = arith.constant 7.812500e-03 : f32
      %mul3A_199 = vector.broadcast %mul3A_198 : f32 to vector<16xf32>
      %mul3A_200 = arith.mulf %convert_element_type3A_197, %mul3A_199 : vector<16xf32>
      %min3A = arith.constant 1 : i32
      %min3A_201 = vector.broadcast %min3A : i32 to vector<16xi32>
      %min3A_202 = arith.minsi %get3A_180, %min3A_201 : vector<16xi32>
      %broadcast_in_dim3A_203 = arith.constant true
      %broadcast_in_dim3A_204 = vector.broadcast %broadcast_in_dim3A_203 : i1 to vector<16xi1>
      %masked_cumsum3A = tpu.scan <sum>, %min3A_202 masked %broadcast_in_dim3A_204 : vector<16xi32>, vector<16xi1> -> vector<16xi32>
      %add3A_205 = vector.broadcast %scan3A_177 : i32 to vector<16xi32>
      %add3A_206 = arith.addi %add3A_205, %masked_cumsum3A : vector<16xi32>
      %sub3A_207 = arith.constant 1 : i32
      %sub3A_208 = vector.broadcast %sub3A_207 : i32 to vector<16xi32>
      %sub3A_209 = arith.subi %add3A_206, %sub3A_208 : vector<16xi32>
      tpu.vector_store_idx %arg8[%sub3A_209], %mul3A_196 masked %gt3A_182 : memref<2048xf32, #tpu.memory_space<vmem>>[vector<16xi32>], vector<16xf32>, vector<16xi1>
      tpu.vector_store_idx %arg9[%sub3A_209], %mul3A_200 masked %gt3A_182 : memref<2048xf32, #tpu.memory_space<vmem>>[vector<16xi32>], vector<16xf32>, vector<16xi1>
      tpu.vector_store_idx %arg10[%sub3A_209], %broadcast_in_dim3A_65 masked %gt3A_182 : memref<2048xf32, #tpu.memory_space<vmem>>[vector<16xi32>], vector<16xf32>, vector<16xi1>
      %reduce_sum3A = arith.constant true
      %reduce_sum3A_210 = vector.broadcast %reduce_sum3A : i1 to vector<16xi1>
      %reduce_sum3A_211 = tpu.scan <sum>, %min3A_202 masked %reduce_sum3A_210 : vector<16xi32>, vector<16xi1> -> vector<16xi32>
      %reduce_sum3A_212 = vector.extract %reduce_sum3A_211[15] : i32 from vector<16xi32>
      %add3A_213 = arith.addi %scan3A_177, %reduce_sum3A_212 : i32
      scf.yield %add3A_213 : i32
    }
    %scan3A_73 = arith.constant 128 : i32
    %add3A_74 = arith.constant 256 : i32
    %add3A_75 = arith.addi %scan3A_72, %add3A_74 : i32
    %sub3A_76 = arith.constant 1 : i32
    %sub3A_77 = arith.subi %add3A_75, %sub3A_76 : i32
    %jit3A_78 = arith.constant 256 : i32
    %div3A_79 = arith.divsi %sub3A_77, %jit3A_78 : i32
    %sign3A_80 = arith.constant 0 : i32
    %sign3A_81 = arith.cmpi sgt, %sub3A_77, %sign3A_80 : i32
    %sign3A_82 = arith.extui %sign3A_81 : i1 to i32
    %sign3A_83 = arith.constant 0 : i32
    %sign3A_84 = arith.cmpi slt, %sub3A_77, %sign3A_83 : i32
    %sign3A_85 = arith.extui %sign3A_84 : i1 to i32
    %sign3A_86 = arith.subi %sign3A_82, %sign3A_85 : i32
    %sign3A_87 = arith.constant 0 : i32
    %sign3A_88 = arith.cmpi sgt, %jit3A_78, %sign3A_87 : i32
    %sign3A_89 = arith.extui %sign3A_88 : i1 to i32
    %sign3A_90 = arith.constant 0 : i32
    %sign3A_91 = arith.cmpi slt, %jit3A_78, %sign3A_90 : i32
    %sign3A_92 = arith.extui %sign3A_91 : i1 to i32
    %sign3A_93 = arith.subi %sign3A_89, %sign3A_92 : i32
    %ne3A_94 = arith.cmpi ne, %sign3A_86, %sign3A_93 : i32
    %rem3A_95 = arith.remsi %sub3A_77, %jit3A_78 : i32
    %ne3A_96 = arith.constant 0 : i32
    %ne3A_97 = arith.cmpi ne, %rem3A_95, %ne3A_96 : i32
    %and3A_98 = arith.andi %ne3A_94, %ne3A_97 : i1
    %sub3A_99 = arith.constant 1 : i32
    %sub3A_100 = arith.subi %div3A_79, %sub3A_99 : i32
    %select_n3A_101 = arith.select %and3A_98, %sub3A_100, %div3A_79 : i32
    %jit3A_102 = arith.constant 16 : i32
    %div3A_103 = arith.divsi %scan3A_72, %jit3A_102 : i32
    %sign3A_104 = arith.constant 0 : i32
    %sign3A_105 = arith.cmpi sgt, %scan3A_72, %sign3A_104 : i32
    %sign3A_106 = arith.extui %sign3A_105 : i1 to i32
    %sign3A_107 = arith.constant 0 : i32
    %sign3A_108 = arith.cmpi slt, %scan3A_72, %sign3A_107 : i32
    %sign3A_109 = arith.extui %sign3A_108 : i1 to i32
    %sign3A_110 = arith.subi %sign3A_106, %sign3A_109 : i32
    %sign3A_111 = arith.constant 0 : i32
    %sign3A_112 = arith.cmpi sgt, %jit3A_102, %sign3A_111 : i32
    %sign3A_113 = arith.extui %sign3A_112 : i1 to i32
    %sign3A_114 = arith.constant 0 : i32
    %sign3A_115 = arith.cmpi slt, %jit3A_102, %sign3A_114 : i32
    %sign3A_116 = arith.extui %sign3A_115 : i1 to i32
    %sign3A_117 = arith.subi %sign3A_113, %sign3A_116 : i32
    %ne3A_118 = arith.cmpi ne, %sign3A_110, %sign3A_117 : i32
    %rem3A_119 = arith.remsi %scan3A_72, %jit3A_102 : i32
    %ne3A_120 = arith.constant 0 : i32
    %ne3A_121 = arith.cmpi ne, %rem3A_119, %ne3A_120 : i32
    %and3A_122 = arith.andi %ne3A_118, %ne3A_121 : i1
    %sub3A_123 = arith.constant 1 : i32
    %sub3A_124 = arith.subi %div3A_103, %sub3A_123 : i32
    %select_n3A_125 = arith.select %and3A_122, %sub3A_124, %div3A_103 : i32
    %mul3A_126 = arith.constant 256 : i32
    %mul3A_127 = arith.muli %select_n3A_101, %mul3A_126 : i32
    %jit3A_128 = arith.constant 16 : i32
    %div3A_129 = arith.divsi %mul3A_127, %jit3A_128 : i32
    %sign3A_130 = arith.constant 0 : i32
    %sign3A_131 = arith.cmpi sgt, %mul3A_127, %sign3A_130 : i32
    %sign3A_132 = arith.extui %sign3A_131 : i1 to i32
    %sign3A_133 = arith.constant 0 : i32
    %sign3A_134 = arith.cmpi slt, %mul3A_127, %sign3A_133 : i32
    %sign3A_135 = arith.extui %sign3A_134 : i1 to i32
    %sign3A_136 = arith.subi %sign3A_132, %sign3A_135 : i32
    %sign3A_137 = arith.constant 0 : i32
    %sign3A_138 = arith.cmpi sgt, %jit3A_128, %sign3A_137 : i32
    %sign3A_139 = arith.extui %sign3A_138 : i1 to i32
    %sign3A_140 = arith.constant 0 : i32
    %sign3A_141 = arith.cmpi slt, %jit3A_128, %sign3A_140 : i32
    %sign3A_142 = arith.extui %sign3A_141 : i1 to i32
    %sign3A_143 = arith.subi %sign3A_139, %sign3A_142 : i32
    %ne3A_144 = arith.cmpi ne, %sign3A_136, %sign3A_143 : i32
    %rem3A_145 = arith.remsi %mul3A_127, %jit3A_128 : i32
    %ne3A_146 = arith.constant 0 : i32
    %ne3A_147 = arith.cmpi ne, %rem3A_145, %ne3A_146 : i32
    %and3A_148 = arith.andi %ne3A_144, %ne3A_147 : i1
    %sub3A_149 = arith.constant 1 : i32
    %sub3A_150 = arith.subi %div3A_129, %sub3A_149 : i32
    %select_n3A_151 = arith.select %and3A_148, %sub3A_150, %div3A_129 : i32
    %while3A = arith.constant 0 : i32
    %while3A_152 = arith.subi %select_n3A_151, %select_n3A_125 : i32
    %while3A_153 = arith.addi %select_n3A_125, %while3A_152 : i32
    %while3A_154 = arith.constant 1 : i32
    %while3A_155 = arith.divsi %while3A_152, %while3A_154 : i32
    %while3A_156 = arith.muli %while3A_155, %while3A_154 : i32
    %while3A_157 = arith.addi %select_n3A_125, %while3A_156 : i32
    %while3A_158 = arith.constant 1 : i32
    scf.for %while3A_176 = %select_n3A_125 to %while3A_157 step %while3A_158  : i32 {
      %mul3A_177 = arith.constant 16 : i32
      %mul3A_178 = arith.muli %while3A_176, %mul3A_177 : i32
      %get3A = arith.index_cast %mul3A_178 : i32 to index
      %get3A_179 = tpu.vector_load %arg10[%get3A] {strides = array<i32>} : memref<2048xf32, #tpu.memory_space<vmem>>, vector<16xf32>,
      %mul3A_180 = arith.constant 16 : i32
      %mul3A_181 = arith.muli %while3A_176, %mul3A_180 : i32
      %add3A_182 = vector.broadcast %mul3A_181 : i32 to vector<16xi32>
      %add3A_183 = arith.addi %add3A_182, %iota3A : vector<16xi32>
      %lt3A_184 = vector.broadcast %scan3A_72 : i32 to vector<16xi32>
      %lt3A_185 = arith.cmpi slt, %add3A_183, %lt3A_184 : vector<16xi32>
      %jit3A_186 = arith.constant 0.000000e+00 : f32
      %broadcast_in_dim3A_187 = vector.broadcast %jit3A_186 : f32 to vector<16xf32>
      %select_n3A_188 = arith.select %lt3A_185, %get3A_179, %broadcast_in_dim3A_187 : vector<16xi1>, vector<16xf32>
      %mul3A_189 = arith.constant 16 : i32
      %mul3A_190 = arith.muli %while3A_176, %mul3A_189 : i32
      %swap3A_191 = arith.index_cast %mul3A_190 : i32 to index
      %swap3A_192 = tpu.vector_load %arg10[%swap3A_191] {strides = array<i32>} : memref<2048xf32, #tpu.memory_space<vmem>>, vector<16xf32>,
      tpu.vector_store %arg10[%swap3A_191], %select_n3A_188 {strides = array<i32>} : memref<2048xf32, #tpu.memory_space<vmem>>, vector<16xf32>,
    }
    %while3A_159 = arith.constant 1 : i32
    scf.for %while3A_176 = %while3A_157 to %while3A_153 step %while3A_159  : i32 {
      %mul3A_177 = arith.constant 16 : i32
      %mul3A_178 = arith.muli %while3A_176, %mul3A_177 : i32
      %get3A = arith.index_cast %mul3A_178 : i32 to index
      %get3A_179 = tpu.vector_load %arg10[%get3A] {strides = array<i32>} : memref<2048xf32, #tpu.memory_space<vmem>>, vector<16xf32>,
      %mul3A_180 = arith.constant 16 : i32
      %mul3A_181 = arith.muli %while3A_176, %mul3A_180 : i32
      %add3A_182 = vector.broadcast %mul3A_181 : i32 to vector<16xi32>
      %add3A_183 = arith.addi %add3A_182, %iota3A : vector<16xi32>
      %lt3A_184 = vector.broadcast %scan3A_72 : i32 to vector<16xi32>
      %lt3A_185 = arith.cmpi slt, %add3A_183, %lt3A_184 : vector<16xi32>
      %jit3A_186 = arith.constant 0.000000e+00 : f32
      %broadcast_in_dim3A_187 = vector.broadcast %jit3A_186 : f32 to vector<16xf32>
      %select_n3A_188 = arith.select %lt3A_185, %get3A_179, %broadcast_in_dim3A_187 : vector<16xi1>, vector<16xf32>
      %mul3A_189 = arith.constant 16 : i32
      %mul3A_190 = arith.muli %while3A_176, %mul3A_189 : i32
      %swap3A_191 = arith.index_cast %mul3A_190 : i32 to index
      %swap3A_192 = tpu.vector_load %arg10[%swap3A_191] {strides = array<i32>} : memref<2048xf32, #tpu.memory_space<vmem>>, vector<16xf32>,
      tpu.vector_store %arg10[%swap3A_191], %select_n3A_188 {strides = array<i32>} : memref<2048xf32, #tpu.memory_space<vmem>>, vector<16xf32>,
    }
    %mul3A_160 = arith.constant 256 : i32
    %mul3A_161 = arith.muli %select_n3A_101, %mul3A_160 : i32
    %sc_fetch_and_add3A = arith.constant 0 : i32
    %sc_fetch_and_add3A_162 = tpu.fetch_and_add_sync %arg12[%sc_fetch_and_add3A], %mul3A_161, %mul3A_56 : memref<1xi32, #tpu.memory_space<smem>>, i32 -> i32
    %while3A_163 = arith.constant 0 : i32
    %while3A_164 = arith.constant 0 : i32
    %while3A_165 = arith.subi %select_n3A_101, %while3A_164 : i32
    %while3A_166 = arith.addi %while3A_164, %while3A_165 : i32
    %while3A_167 = arith.constant 1 : i32
    %while3A_168 = arith.divsi %while3A_165, %while3A_167 : i32
    %while3A_169 = arith.muli %while3A_168, %while3A_167 : i32
    %while3A_170 = arith.addi %while3A_164, %while3A_169 : i32
    %while3A_171 = arith.constant 1 : i32
    scf.for %while3A_176 = %while3A_164 to %while3A_170 step %while3A_171  : i32 {
      %mul3A_177 = arith.constant 256 : i32
      %mul3A_178 = arith.muli %while3A_176, %mul3A_177 : i32
      %mul3A_179 = arith.constant 16384 : i32
      %mul3A_180 = arith.muli %add3A, %mul3A_179 : i32
      %add3A_181 = arith.addi %mul3A_180, %sc_fetch_and_add3A_162 : i32
      %mul3A_182 = arith.constant 256 : i32
      %mul3A_183 = arith.muli %while3A_176, %mul3A_182 : i32
      %add3A_184 = arith.addi %add3A_181, %mul3A_183 : i32
      %multiple_of3A_185 = tpu.assume_multiple %add3A_184, 256 : i32
      "tpu.region"() ({
        %run_scoped3A = tpu.sem_alloc : memref<!tpu.dma_semaphore, #tpu.memory_space<semaphore_mem>>
        %dma_start3A = tpu.memref_slice %arg8[%mul3A_178] : memref<2048xf32, #tpu.memory_space<vmem>> -> memref<256xf32, #tpu.memory_space<vmem>>
        %dma_start3A_186 = tpu.memref_slice %arg3[%multiple_of3A_185] : memref<65536xf32, #tpu.memory_space<hbm>> -> memref<256xf32, #tpu.memory_space<hbm>>
        %dma_start3A_187 = tpu.memref_slice %arg3[%multiple_of3A_185] : memref<65536xf32, #tpu.memory_space<hbm>> -> memref<256xf32, #tpu.memory_space<hbm>>
        %dma_start3A_188 = tpu.memref_slice %arg8[%mul3A_178] : memref<2048xf32, #tpu.memory_space<vmem>> -> memref<256xf32, #tpu.memory_space<vmem>>
        tpu.enqueue_dma source(%dma_start3A_188 : memref<256xf32, #tpu.memory_space<vmem>>) target(%dma_start3A_187 : memref<256xf32, #tpu.memory_space<hbm>>) target_semaphore(%run_scoped3A : memref<!tpu.dma_semaphore, #tpu.memory_space<semaphore_mem>>)
        %dma_wait3A = tpu.memref_slice %arg8[%mul3A_178] : memref<2048xf32, #tpu.memory_space<vmem>> -> memref<256xf32, #tpu.memory_space<vmem>>
        %dma_wait3A_189 = tpu.memref_slice %arg3[%multiple_of3A_185] : memref<65536xf32, #tpu.memory_space<hbm>> -> memref<256xf32, #tpu.memory_space<hbm>>
        %dma_wait3A_190 = tpu.memref_slice %arg3[%multiple_of3A_185] : memref<65536xf32, #tpu.memory_space<hbm>> -> memref<256xf32, #tpu.memory_space<hbm>>
        %dma_wait3A_191 = tpu.memref_slice %arg8[%mul3A_178] : memref<2048xf32, #tpu.memory_space<vmem>> -> memref<256xf32, #tpu.memory_space<vmem>>
        tpu.wait_dma2 semaphore(%run_scoped3A : memref<!tpu.dma_semaphore, #tpu.memory_space<semaphore_mem>>) src(%dma_wait3A_191 : memref<256xf32, #tpu.memory_space<vmem>>) dst(%dma_wait3A_190 : memref<256xf32, #tpu.memory_space<hbm>>)
        tpu.yield
      }) : () -> ()
      "tpu.region"() ({
        %run_scoped3A = tpu.sem_alloc : memref<!tpu.dma_semaphore, #tpu.memory_space<semaphore_mem>>
        %dma_start3A = tpu.memref_slice %arg9[%mul3A_178] : memref<2048xf32, #tpu.memory_space<vmem>> -> memref<256xf32, #tpu.memory_space<vmem>>
        %dma_start3A_186 = tpu.memref_slice %arg4[%multiple_of3A_185] : memref<65536xf32, #tpu.memory_space<hbm>> -> memref<256xf32, #tpu.memory_space<hbm>>
        %dma_start3A_187 = tpu.memref_slice %arg4[%multiple_of3A_185] : memref<65536xf32, #tpu.memory_space<hbm>> -> memref<256xf32, #tpu.memory_space<hbm>>
        %dma_start3A_188 = tpu.memref_slice %arg9[%mul3A_178] : memref<2048xf32, #tpu.memory_space<vmem>> -> memref<256xf32, #tpu.memory_space<vmem>>
        tpu.enqueue_dma source(%dma_start3A_188 : memref<256xf32, #tpu.memory_space<vmem>>) target(%dma_start3A_187 : memref<256xf32, #tpu.memory_space<hbm>>) target_semaphore(%run_scoped3A : memref<!tpu.dma_semaphore, #tpu.memory_space<semaphore_mem>>)
        %dma_wait3A = tpu.memref_slice %arg9[%mul3A_178] : memref<2048xf32, #tpu.memory_space<vmem>> -> memref<256xf32, #tpu.memory_space<vmem>>
        %dma_wait3A_189 = tpu.memref_slice %arg4[%multiple_of3A_185] : memref<65536xf32, #tpu.memory_space<hbm>> -> memref<256xf32, #tpu.memory_space<hbm>>
        %dma_wait3A_190 = tpu.memref_slice %arg4[%multiple_of3A_185] : memref<65536xf32, #tpu.memory_space<hbm>> -> memref<256xf32, #tpu.memory_space<hbm>>
        %dma_wait3A_191 = tpu.memref_slice %arg9[%mul3A_178] : memref<2048xf32, #tpu.memory_space<vmem>> -> memref<256xf32, #tpu.memory_space<vmem>>
        tpu.wait_dma2 semaphore(%run_scoped3A : memref<!tpu.dma_semaphore, #tpu.memory_space<semaphore_mem>>) src(%dma_wait3A_191 : memref<256xf32, #tpu.memory_space<vmem>>) dst(%dma_wait3A_190 : memref<256xf32, #tpu.memory_space<hbm>>)
        tpu.yield
      }) : () -> ()
      "tpu.region"() ({
        %run_scoped3A = tpu.sem_alloc : memref<!tpu.dma_semaphore, #tpu.memory_space<semaphore_mem>>
        %dma_start3A = tpu.memref_slice %arg10[%mul3A_178] : memref<2048xf32, #tpu.memory_space<vmem>> -> memref<256xf32, #tpu.memory_space<vmem>>
        %dma_start3A_186 = tpu.memref_slice %arg5[%multiple_of3A_185] : memref<65536xf32, #tpu.memory_space<hbm>> -> memref<256xf32, #tpu.memory_space<hbm>>
        %dma_start3A_187 = tpu.memref_slice %arg5[%multiple_of3A_185] : memref<65536xf32, #tpu.memory_space<hbm>> -> memref<256xf32, #tpu.memory_space<hbm>>
        %dma_start3A_188 = tpu.memref_slice %arg10[%mul3A_178] : memref<2048xf32, #tpu.memory_space<vmem>> -> memref<256xf32, #tpu.memory_space<vmem>>
        tpu.enqueue_dma source(%dma_start3A_188 : memref<256xf32, #tpu.memory_space<vmem>>) target(%dma_start3A_187 : memref<256xf32, #tpu.memory_space<hbm>>) target_semaphore(%run_scoped3A : memref<!tpu.dma_semaphore, #tpu.memory_space<semaphore_mem>>)
        %dma_wait3A = tpu.memref_slice %arg10[%mul3A_178] : memref<2048xf32, #tpu.memory_space<vmem>> -> memref<256xf32, #tpu.memory_space<vmem>>
        %dma_wait3A_189 = tpu.memref_slice %arg5[%multiple_of3A_185] : memref<65536xf32, #tpu.memory_space<hbm>> -> memref<256xf32, #tpu.memory_space<hbm>>
        %dma_wait3A_190 = tpu.memref_slice %arg5[%multiple_of3A_185] : memref<65536xf32, #tpu.memory_space<hbm>> -> memref<256xf32, #tpu.memory_space<hbm>>
        %dma_wait3A_191 = tpu.memref_slice %arg10[%mul3A_178] : memref<2048xf32, #tpu.memory_space<vmem>> -> memref<256xf32, #tpu.memory_space<vmem>>
        tpu.wait_dma2 semaphore(%run_scoped3A : memref<!tpu.dma_semaphore, #tpu.memory_space<semaphore_mem>>) src(%dma_wait3A_191 : memref<256xf32, #tpu.memory_space<vmem>>) dst(%dma_wait3A_190 : memref<256xf32, #tpu.memory_space<hbm>>)
        tpu.yield
      }) : () -> ()
    }
    %while3A_172 = arith.constant 1 : i32
    scf.for %while3A_176 = %while3A_170 to %while3A_166 step %while3A_172  : i32 {
      %mul3A_177 = arith.constant 256 : i32
      %mul3A_178 = arith.muli %while3A_176, %mul3A_177 : i32
      %mul3A_179 = arith.constant 16384 : i32
      %mul3A_180 = arith.muli %add3A, %mul3A_179 : i32
      %add3A_181 = arith.addi %mul3A_180, %sc_fetch_and_add3A_162 : i32
      %mul3A_182 = arith.constant 256 : i32
      %mul3A_183 = arith.muli %while3A_176, %mul3A_182 : i32
      %add3A_184 = arith.addi %add3A_181, %mul3A_183 : i32
      %multiple_of3A_185 = tpu.assume_multiple %add3A_184, 256 : i32
      "tpu.region"() ({
        %run_scoped3A = tpu.sem_alloc : memref<!tpu.dma_semaphore, #tpu.memory_space<semaphore_mem>>
        %dma_start3A = tpu.memref_slice %arg8[%mul3A_178] : memref<2048xf32, #tpu.memory_space<vmem>> -> memref<256xf32, #tpu.memory_space<vmem>>
        %dma_start3A_186 = tpu.memref_slice %arg3[%multiple_of3A_185] : memref<65536xf32, #tpu.memory_space<hbm>> -> memref<256xf32, #tpu.memory_space<hbm>>
        %dma_start3A_187 = tpu.memref_slice %arg3[%multiple_of3A_185] : memref<65536xf32, #tpu.memory_space<hbm>> -> memref<256xf32, #tpu.memory_space<hbm>>
        %dma_start3A_188 = tpu.memref_slice %arg8[%mul3A_178] : memref<2048xf32, #tpu.memory_space<vmem>> -> memref<256xf32, #tpu.memory_space<vmem>>
        tpu.enqueue_dma source(%dma_start3A_188 : memref<256xf32, #tpu.memory_space<vmem>>) target(%dma_start3A_187 : memref<256xf32, #tpu.memory_space<hbm>>) target_semaphore(%run_scoped3A : memref<!tpu.dma_semaphore, #tpu.memory_space<semaphore_mem>>)
        %dma_wait3A = tpu.memref_slice %arg8[%mul3A_178] : memref<2048xf32, #tpu.memory_space<vmem>> -> memref<256xf32, #tpu.memory_space<vmem>>
        %dma_wait3A_189 = tpu.memref_slice %arg3[%multiple_of3A_185] : memref<65536xf32, #tpu.memory_space<hbm>> -> memref<256xf32, #tpu.memory_space<hbm>>
        %dma_wait3A_190 = tpu.memref_slice %arg3[%multiple_of3A_185] : memref<65536xf32, #tpu.memory_space<hbm>> -> memref<256xf32, #tpu.memory_space<hbm>>
        %dma_wait3A_191 = tpu.memref_slice %arg8[%mul3A_178] : memref<2048xf32, #tpu.memory_space<vmem>> -> memref<256xf32, #tpu.memory_space<vmem>>
        tpu.wait_dma2 semaphore(%run_scoped3A : memref<!tpu.dma_semaphore, #tpu.memory_space<semaphore_mem>>) src(%dma_wait3A_191 : memref<256xf32, #tpu.memory_space<vmem>>) dst(%dma_wait3A_190 : memref<256xf32, #tpu.memory_space<hbm>>)
        tpu.yield
      }) : () -> ()
      "tpu.region"() ({
        %run_scoped3A = tpu.sem_alloc : memref<!tpu.dma_semaphore, #tpu.memory_space<semaphore_mem>>
        %dma_start3A = tpu.memref_slice %arg9[%mul3A_178] : memref<2048xf32, #tpu.memory_space<vmem>> -> memref<256xf32, #tpu.memory_space<vmem>>
        %dma_start3A_186 = tpu.memref_slice %arg4[%multiple_of3A_185] : memref<65536xf32, #tpu.memory_space<hbm>> -> memref<256xf32, #tpu.memory_space<hbm>>
        %dma_start3A_187 = tpu.memref_slice %arg4[%multiple_of3A_185] : memref<65536xf32, #tpu.memory_space<hbm>> -> memref<256xf32, #tpu.memory_space<hbm>>
        %dma_start3A_188 = tpu.memref_slice %arg9[%mul3A_178] : memref<2048xf32, #tpu.memory_space<vmem>> -> memref<256xf32, #tpu.memory_space<vmem>>
        tpu.enqueue_dma source(%dma_start3A_188 : memref<256xf32, #tpu.memory_space<vmem>>) target(%dma_start3A_187 : memref<256xf32, #tpu.memory_space<hbm>>) target_semaphore(%run_scoped3A : memref<!tpu.dma_semaphore, #tpu.memory_space<semaphore_mem>>)
        %dma_wait3A = tpu.memref_slice %arg9[%mul3A_178] : memref<2048xf32, #tpu.memory_space<vmem>> -> memref<256xf32, #tpu.memory_space<vmem>>
        %dma_wait3A_189 = tpu.memref_slice %arg4[%multiple_of3A_185] : memref<65536xf32, #tpu.memory_space<hbm>> -> memref<256xf32, #tpu.memory_space<hbm>>
        %dma_wait3A_190 = tpu.memref_slice %arg4[%multiple_of3A_185] : memref<65536xf32, #tpu.memory_space<hbm>> -> memref<256xf32, #tpu.memory_space<hbm>>
        %dma_wait3A_191 = tpu.memref_slice %arg9[%mul3A_178] : memref<2048xf32, #tpu.memory_space<vmem>> -> memref<256xf32, #tpu.memory_space<vmem>>
        tpu.wait_dma2 semaphore(%run_scoped3A : memref<!tpu.dma_semaphore, #tpu.memory_space<semaphore_mem>>) src(%dma_wait3A_191 : memref<256xf32, #tpu.memory_space<vmem>>) dst(%dma_wait3A_190 : memref<256xf32, #tpu.memory_space<hbm>>)
        tpu.yield
      }) : () -> ()
      "tpu.region"() ({
        %run_scoped3A = tpu.sem_alloc : memref<!tpu.dma_semaphore, #tpu.memory_space<semaphore_mem>>
        %dma_start3A = tpu.memref_slice %arg10[%mul3A_178] : memref<2048xf32, #tpu.memory_space<vmem>> -> memref<256xf32, #tpu.memory_space<vmem>>
        %dma_start3A_186 = tpu.memref_slice %arg5[%multiple_of3A_185] : memref<65536xf32, #tpu.memory_space<hbm>> -> memref<256xf32, #tpu.memory_space<hbm>>
        %dma_start3A_187 = tpu.memref_slice %arg5[%multiple_of3A_185] : memref<65536xf32, #tpu.memory_space<hbm>> -> memref<256xf32, #tpu.memory_space<hbm>>
        %dma_start3A_188 = tpu.memref_slice %arg10[%mul3A_178] : memref<2048xf32, #tpu.memory_space<vmem>> -> memref<256xf32, #tpu.memory_space<vmem>>
        tpu.enqueue_dma source(%dma_start3A_188 : memref<256xf32, #tpu.memory_space<vmem>>) target(%dma_start3A_187 : memref<256xf32, #tpu.memory_space<hbm>>) target_semaphore(%run_scoped3A : memref<!tpu.dma_semaphore, #tpu.memory_space<semaphore_mem>>)
        %dma_wait3A = tpu.memref_slice %arg10[%mul3A_178] : memref<2048xf32, #tpu.memory_space<vmem>> -> memref<256xf32, #tpu.memory_space<vmem>>
        %dma_wait3A_189 = tpu.memref_slice %arg5[%multiple_of3A_185] : memref<65536xf32, #tpu.memory_space<hbm>> -> memref<256xf32, #tpu.memory_space<hbm>>
        %dma_wait3A_190 = tpu.memref_slice %arg5[%multiple_of3A_185] : memref<65536xf32, #tpu.memory_space<hbm>> -> memref<256xf32, #tpu.memory_space<hbm>>
        %dma_wait3A_191 = tpu.memref_slice %arg10[%mul3A_178] : memref<2048xf32, #tpu.memory_space<vmem>> -> memref<256xf32, #tpu.memory_space<vmem>>
        tpu.wait_dma2 semaphore(%run_scoped3A : memref<!tpu.dma_semaphore, #tpu.memory_space<semaphore_mem>>) src(%dma_wait3A_191 : memref<256xf32, #tpu.memory_space<vmem>>) dst(%dma_wait3A_190 : memref<256xf32, #tpu.memory_space<hbm>>)
        tpu.yield
      }) : () -> ()
    }
    %barrier3A_173 = arith.constant 0 : index
    tpu.barrier barrier_id(%barrier3A_173)
    %eq3A_174 = arith.cmpi eq, %arg1, %mul3A_56 : i32
    %convert_element_type3A = arith.extui %eq3A_174 : i1 to i32
    %cond3A = arith.constant 0 : i32
    %cond3A_175 = arith.cmpi ne, %convert_element_type3A, %cond3A : i32
    scf.if %cond3A_175 {
      %get3A = arith.constant 0 : i32
      %get3A_176 = arith.index_cast %get3A : i32 to index
      %get3A_177 = memref.load %arg12[%get3A_176] : memref<1xi32, #tpu.memory_space<smem>>
      %broadcast_in_dim3A_178 = vector.broadcast %get3A_177 : i32 to vector<16xi32>
      %swap3A_179 = arith.constant 0 : index
      %swap3A_180 = tpu.vector_load %arg11[%swap3A_179] {strides = array<i32>} : memref<16xi32, #tpu.memory_space<vmem>>, vector<16xi32>,
      tpu.vector_store %arg11[%swap3A_179], %broadcast_in_dim3A_178 {strides = array<i32>} : memref<16xi32, #tpu.memory_space<vmem>>, vector<16xi32>,
      %mul3A_181 = arith.constant 8 : i32
      %mul3A_182 = arith.muli %add3A, %mul3A_181 : i32
      %multiple_of3A_183 = tpu.assume_multiple %mul3A_182, 8 : i32
      "tpu.region"() ({
        %run_scoped3A = tpu.sem_alloc : memref<!tpu.dma_semaphore, #tpu.memory_space<semaphore_mem>>
        %dma_start3A = arith.constant 0 : i32
        %dma_start3A_184 = tpu.memref_slice %arg11[%dma_start3A] : memref<16xi32, #tpu.memory_space<vmem>> -> memref<8xi32, #tpu.memory_space<vmem>>
        %dma_start3A_185 = tpu.memref_slice %arg6[%multiple_of3A_183] : memref<32xi32, #tpu.memory_space<hbm>> -> memref<8xi32, #tpu.memory_space<hbm>>
        %dma_start3A_186 = tpu.memref_slice %arg6[%multiple_of3A_183] : memref<32xi32, #tpu.memory_space<hbm>> -> memref<8xi32, #tpu.memory_space<hbm>>
        %dma_start3A_187 = arith.constant 0 : i32
        %dma_start3A_188 = tpu.memref_slice %arg11[%dma_start3A_187] : memref<16xi32, #tpu.memory_space<vmem>> -> memref<8xi32, #tpu.memory_space<vmem>>
        tpu.enqueue_dma source(%dma_start3A_188 : memref<8xi32, #tpu.memory_space<vmem>>) target(%dma_start3A_186 : memref<8xi32, #tpu.memory_space<hbm>>) target_semaphore(%run_scoped3A : memref<!tpu.dma_semaphore, #tpu.memory_space<semaphore_mem>>)
        %dma_wait3A = arith.constant 0 : i32
        %dma_wait3A_189 = tpu.memref_slice %arg11[%dma_wait3A] : memref<16xi32, #tpu.memory_space<vmem>> -> memref<8xi32, #tpu.memory_space<vmem>>
        %dma_wait3A_190 = tpu.memref_slice %arg6[%multiple_of3A_183] : memref<32xi32, #tpu.memory_space<hbm>> -> memref<8xi32, #tpu.memory_space<hbm>>
        %dma_wait3A_191 = tpu.memref_slice %arg6[%multiple_of3A_183] : memref<32xi32, #tpu.memory_space<hbm>> -> memref<8xi32, #tpu.memory_space<hbm>>
        %dma_wait3A_192 = arith.constant 0 : i32
        %dma_wait3A_193 = tpu.memref_slice %arg11[%dma_wait3A_192] : memref<16xi32, #tpu.memory_space<vmem>> -> memref<8xi32, #tpu.memory_space<vmem>>
        tpu.wait_dma2 semaphore(%run_scoped3A : memref<!tpu.dma_semaphore, #tpu.memory_space<semaphore_mem>>) src(%dma_wait3A_193 : memref<8xi32, #tpu.memory_space<vmem>>) dst(%dma_wait3A_191 : memref<8xi32, #tpu.memory_space<hbm>>)
        tpu.yield
      }) : () -> ()
    } else {
    }
    return
  }
}

module attributes {stable_mosaic.version = 14 : i64} {
  func.func @_chamfer_body(%arg0: i32, %arg1: memref<4x8xi32, #tpu.memory_space<smem>>, %arg2: memref<1x1024x2xf32, #tpu.memory_space<vmem>>, %arg3: memref<1x128x128xf32, #tpu.memory_space<vmem>>, %arg4: memref<1x128x128xf32, #tpu.memory_space<vmem>>, %arg5: memref<1x128x128xf32, #tpu.memory_space<vmem>>, %arg6: memref<1x1xf32, #tpu.memory_space<vmem>>, %arg7: memref<1024x128xf32, #tpu.memory_space<vmem>>, %arg8: memref<1xf32, #tpu.memory_space<smem>>) attributes {dimension_semantics = [#tpu.dimension_semantics<arbitrary>], iteration_bounds = array<i64: 4>, scalar_prefetch = 0 : i64, scratch_operands = 2 : i64, tpu.core_type = #tpu.core_type<tc>, window_params = [{transform_indices = @transform_0, window_bounds = array<i64: 4, 8>}, {transform_indices = @transform_1, window_bounds = array<i64: 1, 1024, 2>}, {transform_indices = @transform_2, window_bounds = array<i64: 1, 128, 128>}, {transform_indices = @transform_3, window_bounds = array<i64: 1, 128, 128>}, {transform_indices = @transform_4, window_bounds = array<i64: 1, 128, 128>}, {pipeline_mode = #tpu.pipeline_mode<synchronous>, transform_indices = @transform_5, window_bounds = array<i64: 1, 1>}]} {
    %eq3A = arith.constant 0 : i32
    %eq3A_0 = arith.cmpi eq, %arg0, %eq3A : i32
    %convert_element_type3A = arith.extui %eq3A_0 : i1 to i32
    %cond3A = arith.constant 0 : i32
    %cond3A_1 = arith.cmpi ne, %convert_element_type3A, %cond3A : i32
    scf.if %cond3A_1 {
      %swap3A_82 = arith.constant 0.000000e+00 : f32
      %swap3A_83 = arith.constant 0 : index
      %swap3A_84 = memref.load %arg8[%swap3A_83] : memref<1xf32, #tpu.memory_space<smem>>
      memref.store %swap3A_82, %arg8[%swap3A_83] : memref<1xf32, #tpu.memory_space<smem>>
    } else {
    }
    %get3A = arith.index_cast %arg0 : i32 to index
    %get3A_2 = arith.constant 0 : index
    %get3A_3 = memref.load %arg1[%get3A, %get3A_2] : memref<4x8xi32, #tpu.memory_space<smem>>
    %add3A = arith.constant 2048 : i32
    %add3A_4 = arith.addi %get3A_3, %add3A : i32
    %sub3A = arith.constant 1 : i32
    %sub3A_5 = arith.subi %add3A_4, %sub3A : i32
    %jit3A = arith.constant 2048 : i32
    %div3A = arith.divsi %sub3A_5, %jit3A : i32
    %sign3A = arith.constant 0 : i32
    %sign3A_6 = arith.cmpi sgt, %sub3A_5, %sign3A : i32
    %sign3A_7 = arith.extui %sign3A_6 : i1 to i32
    %sign3A_8 = arith.constant 0 : i32
    %sign3A_9 = arith.cmpi slt, %sub3A_5, %sign3A_8 : i32
    %sign3A_10 = arith.extui %sign3A_9 : i1 to i32
    %sign3A_11 = arith.subi %sign3A_7, %sign3A_10 : i32
    %sign3A_12 = arith.constant 0 : i32
    %sign3A_13 = arith.cmpi sgt, %jit3A, %sign3A_12 : i32
    %sign3A_14 = arith.extui %sign3A_13 : i1 to i32
    %sign3A_15 = arith.constant 0 : i32
    %sign3A_16 = arith.cmpi slt, %jit3A, %sign3A_15 : i32
    %sign3A_17 = arith.extui %sign3A_16 : i1 to i32
    %sign3A_18 = arith.subi %sign3A_14, %sign3A_17 : i32
    %ne3A = arith.cmpi ne, %sign3A_11, %sign3A_18 : i32
    %rem3A = arith.remsi %sub3A_5, %jit3A : i32
    %ne3A_19 = arith.constant 0 : i32
    %ne3A_20 = arith.cmpi ne, %rem3A, %ne3A_19 : i32
    %and3A = arith.andi %ne3A, %ne3A_20 : i1
    %sub3A_21 = arith.constant 1 : i32
    %sub3A_22 = arith.subi %div3A, %sub3A_21 : i32
    %select_n3A = arith.select %and3A, %sub3A_22, %div3A : i32
    %get3A_23 = arith.constant 0 : index
    %get3A_24 = arith.constant 0 : index
    %get3A_25 = arith.constant 0 : index
    %get3A_26 = vector.load %arg2[%get3A_23, %get3A_24, %get3A_25] : memref<1x1024x2xf32, #tpu.memory_space<vmem>>, vector<1x1024x2xf32>
    %get3A_27 = vector.shape_cast %get3A_26 : vector<1x1024x2xf32> to vector<1024x2xf32>
    %iota3A = tpu.iota {dimensions = array<i32: 1>} : vector<1024x2xi32>
    %eq3A_28 = arith.constant 0 : i32
    %eq3A_29 = vector.broadcast %eq3A_28 : i32 to vector<1024x2xi32>
    %eq3A_30 = arith.cmpi eq, %iota3A, %eq3A_29 : vector<1024x2xi32>
    %jit3A_31 = arith.constant 7.812500e-03 : f32
    %jit3A_32 = arith.constant 7.812500e-03 : f32
    %broadcast_in_dim3A = vector.broadcast %jit3A_31 : f32 to vector<1024x2xf32>
    %broadcast_in_dim3A_33 = vector.broadcast %jit3A_32 : f32 to vector<1024x2xf32>
    %select_n3A_34 = arith.select %eq3A_30, %broadcast_in_dim3A, %broadcast_in_dim3A_33 : vector<1024x2xi1>, vector<1024x2xf32>
    %mul3A = arith.mulf %get3A_27, %select_n3A_34 : vector<1024x2xf32>
    %mul3A_35 = arith.mulf %mul3A, %mul3A : vector<1024x2xf32>
    %reduce_sum3A = arith.constant dense<0.000000e+00> : vector<1024xf32>
    %reduce_sum3A_36 = vector.multi_reduction <add>, %mul3A_35, %reduce_sum3A [1] : vector<1024x2xf32> to vector<1024xf32>
    %broadcast_in_dim3A_37 = vector.shape_cast %reduce_sum3A_36 : vector<1024xf32> to vector<1024x1xf32>
    %mul3A_38 = arith.constant -2.000000e+00 : f32
    %mul3A_39 = vector.broadcast %mul3A_38 : f32 to vector<1024x2xf32>
    %mul3A_40 = arith.mulf %mul3A_39, %mul3A : vector<1024x2xf32>
    %broadcast_in_dim3A_41 = arith.constant 1.000000e+00 : f32
    %broadcast_in_dim3A_42 = vector.broadcast %broadcast_in_dim3A_41 : f32 to vector<1024x1xf32>
    %concatenate3A = tpu.concatenate %mul3A_40, %broadcast_in_dim3A_37, %broadcast_in_dim3A_42 in 1 : vector<1024x2xf32>, vector<1024x1xf32>, vector<1024x1xf32> -> vector<1024x4xf32>
    %broadcast_in_dim3A_43 = arith.constant 0x7F800000 : f32
    %broadcast_in_dim3A_44 = vector.broadcast %broadcast_in_dim3A_43 : f32 to vector<1024x128xf32>
    %swap3A = arith.constant 0 : index
    %swap3A_45 = arith.constant 0 : index
    %swap3A_46 = vector.load %arg7[%swap3A, %swap3A_45] : memref<1024x128xf32, #tpu.memory_space<vmem>>, vector<1024x128xf32>
    tpu.vector_store %arg7[%swap3A, %swap3A_45], %broadcast_in_dim3A_44 {strides = array<i32>} : memref<1024x128xf32, #tpu.memory_space<vmem>>, vector<1024x128xf32>,
    %broadcast_in_dim3A_47 = arith.constant 1.000000e+00 : f32
    %broadcast_in_dim3A_48 = vector.broadcast %broadcast_in_dim3A_47 : f32 to vector<1x2048xf32>
    %while3A = arith.constant 0 : i32
    %while3A_49 = arith.constant 0.000000e+00 : f32
    %while3A_50 = arith.subi %select_n3A, %while3A : i32
    %while3A_51 = arith.addi %while3A, %while3A_50 : i32
    %while3A_52 = arith.constant 1 : i32
    %while3A_53 = arith.divsi %while3A_50, %while3A_52 : i32
    %while3A_54 = arith.muli %while3A_53, %while3A_52 : i32
    %while3A_55 = arith.addi %while3A, %while3A_54 : i32
    %while3A_56 = arith.constant 1 : i32
    %while3A_57 = scf.for %while3A_82 = %while3A to %while3A_55 step %while3A_56 iter_args(%while3A_83 = %while3A_49) -> (f32)  : i32 {
      %iota3A_84 = tpu.iota {dimensions = array<i32: 1>} : vector<1x2048xi32>
      %mul3A_85 = arith.constant 2048 : i32
      %mul3A_86 = arith.muli %while3A_82, %mul3A_85 : i32
      %add3A_87 = vector.broadcast %mul3A_86 : i32 to vector<1x2048xi32>
      %add3A_88 = arith.addi %iota3A_84, %add3A_87 : vector<1x2048xi32>
      %mul3A_89 = arith.constant 16 : i32
      %mul3A_90 = arith.muli %while3A_82, %mul3A_89 : i32
      %get3A_91 = arith.constant 0 : index
      %get3A_92 = arith.index_cast %mul3A_90 : i32 to index
      %get3A_93 = arith.constant 0 : index
      %get3A_94 = vector.load %arg5[%get3A_91, %get3A_92, %get3A_93] : memref<1x128x128xf32, #tpu.memory_space<vmem>>, vector<1x16x128xf32>
      %get3A_95 = vector.shape_cast %get3A_94 : vector<1x16x128xf32> to vector<16x128xf32>
      %reshape3A = vector.shape_cast %get3A_95 : vector<16x128xf32> to vector<1x2048xf32>
      %gt3A = arith.constant 0.000000e+00 : f32
      %gt3A_96 = vector.broadcast %gt3A : f32 to vector<1x2048xf32>
      %gt3A_97 = arith.cmpf ogt, %reshape3A, %gt3A_96 : vector<1x2048xf32>
      %lt3A = vector.broadcast %get3A_3 : i32 to vector<1x2048xi32>
      %lt3A_98 = arith.cmpi slt, %add3A_88, %lt3A : vector<1x2048xi32>
      %and3A_99 = arith.andi %gt3A_97, %lt3A_98 : vector<1x2048xi1>
      %mul3A_100 = arith.constant 16 : i32
      %mul3A_101 = arith.muli %while3A_82, %mul3A_100 : i32
      %get3A_102 = arith.constant 0 : index
      %get3A_103 = arith.index_cast %mul3A_101 : i32 to index
      %get3A_104 = arith.constant 0 : index
      %get3A_105 = vector.load %arg3[%get3A_102, %get3A_103, %get3A_104] : memref<1x128x128xf32, #tpu.memory_space<vmem>>, vector<1x16x128xf32>
      %get3A_106 = vector.shape_cast %get3A_105 : vector<1x16x128xf32> to vector<16x128xf32>
      %reshape3A_107 = vector.shape_cast %get3A_106 : vector<16x128xf32> to vector<1x2048xf32>
      %jit3A_108 = arith.constant 2.500000e-01 : f32
      %broadcast_in_dim3A_109 = vector.broadcast %jit3A_108 : f32 to vector<1x2048xf32>
      %select_n3A_110 = arith.select %and3A_99, %reshape3A_107, %broadcast_in_dim3A_109 : vector<1x2048xi1>, vector<1x2048xf32>
      %mul3A_111 = arith.constant 16 : i32
      %mul3A_112 = arith.muli %while3A_82, %mul3A_111 : i32
      %get3A_113 = arith.constant 0 : index
      %get3A_114 = arith.index_cast %mul3A_112 : i32 to index
      %get3A_115 = arith.constant 0 : index
      %get3A_116 = vector.load %arg4[%get3A_113, %get3A_114, %get3A_115] : memref<1x128x128xf32, #tpu.memory_space<vmem>>, vector<1x16x128xf32>
      %get3A_117 = vector.shape_cast %get3A_116 : vector<1x16x128xf32> to vector<16x128xf32>
      %reshape3A_118 = vector.shape_cast %get3A_117 : vector<16x128xf32> to vector<1x2048xf32>
      %jit3A_119 = arith.constant 2.500000e-01 : f32
      %broadcast_in_dim3A_120 = vector.broadcast %jit3A_119 : f32 to vector<1x2048xf32>
      %select_n3A_121 = arith.select %and3A_99, %reshape3A_118, %broadcast_in_dim3A_120 : vector<1x2048xi1>, vector<1x2048xf32>
      %mul3A_122 = arith.mulf %select_n3A_110, %select_n3A_110 : vector<1x2048xf32>
      %mul3A_123 = arith.mulf %select_n3A_121, %select_n3A_121 : vector<1x2048xf32>
      %add3A_124 = arith.addf %mul3A_122, %mul3A_123 : vector<1x2048xf32>
      %jit3A_125 = arith.constant 0.000000e+00 : f32
      %jit3A_126 = arith.constant 0x7F800000 : f32
      %broadcast_in_dim3A_127 = vector.broadcast %jit3A_125 : f32 to vector<1x2048xf32>
      %broadcast_in_dim3A_128 = vector.broadcast %jit3A_126 : f32 to vector<1x2048xf32>
      %select_n3A_129 = arith.select %and3A_99, %broadcast_in_dim3A_127, %broadcast_in_dim3A_128 : vector<1x2048xi1>, vector<1x2048xf32>
      %add3A_130 = arith.addf %add3A_124, %select_n3A_129 : vector<1x2048xf32>
      %concatenate3A_131 = tpu.concatenate %select_n3A_110, %select_n3A_121, %broadcast_in_dim3A_48, %add3A_130 in 0 : vector<1x2048xf32>, vector<1x2048xf32>, vector<1x2048xf32>, vector<1x2048xf32> -> vector<4x2048xf32>
      %dot_general3A = arith.constant dense<0.000000e+00> : vector<1024x2048xf32>
      %dot_general3A_132 = tpu.matmul %concatenate3A, %concatenate3A_131, %dot_general3A {dimension_numbers = #tpu.dot_dimension_numbers<[1], [0], [0], [1], [0, 0, 1, 1], [], []>, transpose_lhs_hint = false} : vector<1024x4xf32>, vector<4x2048xf32>, vector<1024x2048xf32> -> vector<1024x2048xf32>
      %reduce_min3A_133 = arith.constant dense<0x7F800000> : vector<2048xf32>
      %reduce_min3A_134 = vector.multi_reduction <minimumf>, %dot_general3A_132, %reduce_min3A_133 [0] : vector<1024x2048xf32> to vector<2048xf32>
      %broadcast_in_dim3A_135 = vector.shape_cast %reduce_min3A_134 : vector<2048xf32> to vector<1x2048xf32>
      %max3A_136 = arith.constant 0.000000e+00 : f32
      %max3A_137 = vector.broadcast %max3A_136 : f32 to vector<1x2048xf32>
      %max3A_138 = arith.maximumf %broadcast_in_dim3A_135, %max3A_137 : vector<1x2048xf32>
      %sqrt3A_139 = math.sqrt %max3A_138 : vector<1x2048xf32>
      %slice3A = vector.extract_strided_slice %dot_general3A_132 {offsets = [0, 0], sizes = [1024, 128], strides = [1, 1]} : vector<1024x2048xf32> to vector<1024x128xf32>
      %slice3A_140 = vector.extract_strided_slice %dot_general3A_132 {offsets = [0, 128], sizes = [1024, 128], strides = [1, 1]} : vector<1024x2048xf32> to vector<1024x128xf32>
      %min3A = arith.minimumf %slice3A, %slice3A_140 : vector<1024x128xf32>
      %slice3A_141 = vector.extract_strided_slice %dot_general3A_132 {offsets = [0, 256], sizes = [1024, 128], strides = [1, 1]} : vector<1024x2048xf32> to vector<1024x128xf32>
      %min3A_142 = arith.minimumf %min3A, %slice3A_141 : vector<1024x128xf32>
      %slice3A_143 = vector.extract_strided_slice %dot_general3A_132 {offsets = [0, 384], sizes = [1024, 128], strides = [1, 1]} : vector<1024x2048xf32> to vector<1024x128xf32>
      %min3A_144 = arith.minimumf %min3A_142, %slice3A_143 : vector<1024x128xf32>
      %slice3A_145 = vector.extract_strided_slice %dot_general3A_132 {offsets = [0, 512], sizes = [1024, 128], strides = [1, 1]} : vector<1024x2048xf32> to vector<1024x128xf32>
      %min3A_146 = arith.minimumf %min3A_144, %slice3A_145 : vector<1024x128xf32>
      %slice3A_147 = vector.extract_strided_slice %dot_general3A_132 {offsets = [0, 640], sizes = [1024, 128], strides = [1, 1]} : vector<1024x2048xf32> to vector<1024x128xf32>
      %min3A_148 = arith.minimumf %min3A_146, %slice3A_147 : vector<1024x128xf32>
      %slice3A_149 = vector.extract_strided_slice %dot_general3A_132 {offsets = [0, 768], sizes = [1024, 128], strides = [1, 1]} : vector<1024x2048xf32> to vector<1024x128xf32>
      %min3A_150 = arith.minimumf %min3A_148, %slice3A_149 : vector<1024x128xf32>
      %slice3A_151 = vector.extract_strided_slice %dot_general3A_132 {offsets = [0, 896], sizes = [1024, 128], strides = [1, 1]} : vector<1024x2048xf32> to vector<1024x128xf32>
      %min3A_152 = arith.minimumf %min3A_150, %slice3A_151 : vector<1024x128xf32>
      %slice3A_153 = vector.extract_strided_slice %dot_general3A_132 {offsets = [0, 1024], sizes = [1024, 128], strides = [1, 1]} : vector<1024x2048xf32> to vector<1024x128xf32>
      %min3A_154 = arith.minimumf %min3A_152, %slice3A_153 : vector<1024x128xf32>
      %slice3A_155 = vector.extract_strided_slice %dot_general3A_132 {offsets = [0, 1152], sizes = [1024, 128], strides = [1, 1]} : vector<1024x2048xf32> to vector<1024x128xf32>
      %min3A_156 = arith.minimumf %min3A_154, %slice3A_155 : vector<1024x128xf32>
      %slice3A_157 = vector.extract_strided_slice %dot_general3A_132 {offsets = [0, 1280], sizes = [1024, 128], strides = [1, 1]} : vector<1024x2048xf32> to vector<1024x128xf32>
      %min3A_158 = arith.minimumf %min3A_156, %slice3A_157 : vector<1024x128xf32>
      %slice3A_159 = vector.extract_strided_slice %dot_general3A_132 {offsets = [0, 1408], sizes = [1024, 128], strides = [1, 1]} : vector<1024x2048xf32> to vector<1024x128xf32>
      %min3A_160 = arith.minimumf %min3A_158, %slice3A_159 : vector<1024x128xf32>
      %slice3A_161 = vector.extract_strided_slice %dot_general3A_132 {offsets = [0, 1536], sizes = [1024, 128], strides = [1, 1]} : vector<1024x2048xf32> to vector<1024x128xf32>
      %min3A_162 = arith.minimumf %min3A_160, %slice3A_161 : vector<1024x128xf32>
      %slice3A_163 = vector.extract_strided_slice %dot_general3A_132 {offsets = [0, 1664], sizes = [1024, 128], strides = [1, 1]} : vector<1024x2048xf32> to vector<1024x128xf32>
      %min3A_164 = arith.minimumf %min3A_162, %slice3A_163 : vector<1024x128xf32>
      %slice3A_165 = vector.extract_strided_slice %dot_general3A_132 {offsets = [0, 1792], sizes = [1024, 128], strides = [1, 1]} : vector<1024x2048xf32> to vector<1024x128xf32>
      %min3A_166 = arith.minimumf %min3A_164, %slice3A_165 : vector<1024x128xf32>
      %slice3A_167 = vector.extract_strided_slice %dot_general3A_132 {offsets = [0, 1920], sizes = [1024, 128], strides = [1, 1]} : vector<1024x2048xf32> to vector<1024x128xf32>
      %min3A_168 = arith.minimumf %min3A_166, %slice3A_167 : vector<1024x128xf32>
      %get3A_169 = arith.constant 0 : index
      %get3A_170 = arith.constant 0 : index
      %get3A_171 = vector.load %arg7[%get3A_169, %get3A_170] : memref<1024x128xf32, #tpu.memory_space<vmem>>, vector<1024x128xf32>
      %min3A_172 = arith.minimumf %get3A_171, %min3A_168 : vector<1024x128xf32>
      %swap3A_173 = arith.constant 0 : index
      %swap3A_174 = arith.constant 0 : index
      %swap3A_175 = vector.load %arg7[%swap3A_173, %swap3A_174] : memref<1024x128xf32, #tpu.memory_space<vmem>>, vector<1024x128xf32>
      tpu.vector_store %arg7[%swap3A_173, %swap3A_174], %min3A_172 {strides = array<i32>} : memref<1024x128xf32, #tpu.memory_space<vmem>>, vector<1024x128xf32>,
      %jit3A_176 = arith.constant 0.000000e+00 : f32
      %broadcast_in_dim3A_177 = vector.broadcast %jit3A_176 : f32 to vector<1x2048xf32>
      %select_n3A_178 = arith.select %and3A_99, %sqrt3A_139, %broadcast_in_dim3A_177 : vector<1x2048xi1>, vector<1x2048xf32>
      %reduce_sum3A_179 = vector.shape_cast %select_n3A_178 : vector<1x2048xf32> to vector<1x1x2048xf32>
      %reduce_sum3A_180 = arith.constant dense<0.000000e+00> : vector<1xf32>
      %reduce_sum3A_181 = vector.multi_reduction <add>, %reduce_sum3A_179, %reduce_sum3A_180 [1, 2] : vector<1x1x2048xf32> to vector<1xf32>
      %reduce_sum3A_182 = vector.shape_cast %reduce_sum3A_181 : vector<1xf32> to vector<1x1x1xf32>
      %reduce_sum3A_183 = vector.extract %reduce_sum3A_182[0, 0, 0] : f32 from vector<1x1x1xf32>
      %add3A_184 = arith.addf %while3A_83, %reduce_sum3A_183 : f32
      scf.yield %add3A_184 : f32
    }
    %while3A_58 = arith.constant 1 : i32
    %while3A_59 = scf.for %while3A_82 = %while3A_55 to %while3A_51 step %while3A_58 iter_args(%while3A_83 = %while3A_57) -> (f32)  : i32 {
      %iota3A_84 = tpu.iota {dimensions = array<i32: 1>} : vector<1x2048xi32>
      %mul3A_85 = arith.constant 2048 : i32
      %mul3A_86 = arith.muli %while3A_82, %mul3A_85 : i32
      %add3A_87 = vector.broadcast %mul3A_86 : i32 to vector<1x2048xi32>
      %add3A_88 = arith.addi %iota3A_84, %add3A_87 : vector<1x2048xi32>
      %mul3A_89 = arith.constant 16 : i32
      %mul3A_90 = arith.muli %while3A_82, %mul3A_89 : i32
      %get3A_91 = arith.constant 0 : index
      %get3A_92 = arith.index_cast %mul3A_90 : i32 to index
      %get3A_93 = arith.constant 0 : index
      %get3A_94 = vector.load %arg5[%get3A_91, %get3A_92, %get3A_93] : memref<1x128x128xf32, #tpu.memory_space<vmem>>, vector<1x16x128xf32>
      %get3A_95 = vector.shape_cast %get3A_94 : vector<1x16x128xf32> to vector<16x128xf32>
      %reshape3A = vector.shape_cast %get3A_95 : vector<16x128xf32> to vector<1x2048xf32>
      %gt3A = arith.constant 0.000000e+00 : f32
      %gt3A_96 = vector.broadcast %gt3A : f32 to vector<1x2048xf32>
      %gt3A_97 = arith.cmpf ogt, %reshape3A, %gt3A_96 : vector<1x2048xf32>
      %lt3A = vector.broadcast %get3A_3 : i32 to vector<1x2048xi32>
      %lt3A_98 = arith.cmpi slt, %add3A_88, %lt3A : vector<1x2048xi32>
      %and3A_99 = arith.andi %gt3A_97, %lt3A_98 : vector<1x2048xi1>
      %mul3A_100 = arith.constant 16 : i32
      %mul3A_101 = arith.muli %while3A_82, %mul3A_100 : i32
      %get3A_102 = arith.constant 0 : index
      %get3A_103 = arith.index_cast %mul3A_101 : i32 to index
      %get3A_104 = arith.constant 0 : index
      %get3A_105 = vector.load %arg3[%get3A_102, %get3A_103, %get3A_104] : memref<1x128x128xf32, #tpu.memory_space<vmem>>, vector<1x16x128xf32>
      %get3A_106 = vector.shape_cast %get3A_105 : vector<1x16x128xf32> to vector<16x128xf32>
      %reshape3A_107 = vector.shape_cast %get3A_106 : vector<16x128xf32> to vector<1x2048xf32>
      %jit3A_108 = arith.constant 2.500000e-01 : f32
      %broadcast_in_dim3A_109 = vector.broadcast %jit3A_108 : f32 to vector<1x2048xf32>
      %select_n3A_110 = arith.select %and3A_99, %reshape3A_107, %broadcast_in_dim3A_109 : vector<1x2048xi1>, vector<1x2048xf32>
      %mul3A_111 = arith.constant 16 : i32
      %mul3A_112 = arith.muli %while3A_82, %mul3A_111 : i32
      %get3A_113 = arith.constant 0 : index
      %get3A_114 = arith.index_cast %mul3A_112 : i32 to index
      %get3A_115 = arith.constant 0 : index
      %get3A_116 = vector.load %arg4[%get3A_113, %get3A_114, %get3A_115] : memref<1x128x128xf32, #tpu.memory_space<vmem>>, vector<1x16x128xf32>
      %get3A_117 = vector.shape_cast %get3A_116 : vector<1x16x128xf32> to vector<16x128xf32>
      %reshape3A_118 = vector.shape_cast %get3A_117 : vector<16x128xf32> to vector<1x2048xf32>
      %jit3A_119 = arith.constant 2.500000e-01 : f32
      %broadcast_in_dim3A_120 = vector.broadcast %jit3A_119 : f32 to vector<1x2048xf32>
      %select_n3A_121 = arith.select %and3A_99, %reshape3A_118, %broadcast_in_dim3A_120 : vector<1x2048xi1>, vector<1x2048xf32>
      %mul3A_122 = arith.mulf %select_n3A_110, %select_n3A_110 : vector<1x2048xf32>
      %mul3A_123 = arith.mulf %select_n3A_121, %select_n3A_121 : vector<1x2048xf32>
      %add3A_124 = arith.addf %mul3A_122, %mul3A_123 : vector<1x2048xf32>
      %jit3A_125 = arith.constant 0.000000e+00 : f32
      %jit3A_126 = arith.constant 0x7F800000 : f32
      %broadcast_in_dim3A_127 = vector.broadcast %jit3A_125 : f32 to vector<1x2048xf32>
      %broadcast_in_dim3A_128 = vector.broadcast %jit3A_126 : f32 to vector<1x2048xf32>
      %select_n3A_129 = arith.select %and3A_99, %broadcast_in_dim3A_127, %broadcast_in_dim3A_128 : vector<1x2048xi1>, vector<1x2048xf32>
      %add3A_130 = arith.addf %add3A_124, %select_n3A_129 : vector<1x2048xf32>
      %concatenate3A_131 = tpu.concatenate %select_n3A_110, %select_n3A_121, %broadcast_in_dim3A_48, %add3A_130 in 0 : vector<1x2048xf32>, vector<1x2048xf32>, vector<1x2048xf32>, vector<1x2048xf32> -> vector<4x2048xf32>
      %dot_general3A = arith.constant dense<0.000000e+00> : vector<1024x2048xf32>
      %dot_general3A_132 = tpu.matmul %concatenate3A, %concatenate3A_131, %dot_general3A {dimension_numbers = #tpu.dot_dimension_numbers<[1], [0], [0], [1], [0, 0, 1, 1], [], []>, transpose_lhs_hint = false} : vector<1024x4xf32>, vector<4x2048xf32>, vector<1024x2048xf32> -> vector<1024x2048xf32>
      %reduce_min3A_133 = arith.constant dense<0x7F800000> : vector<2048xf32>
      %reduce_min3A_134 = vector.multi_reduction <minimumf>, %dot_general3A_132, %reduce_min3A_133 [0] : vector<1024x2048xf32> to vector<2048xf32>
      %broadcast_in_dim3A_135 = vector.shape_cast %reduce_min3A_134 : vector<2048xf32> to vector<1x2048xf32>
      %max3A_136 = arith.constant 0.000000e+00 : f32
      %max3A_137 = vector.broadcast %max3A_136 : f32 to vector<1x2048xf32>
      %max3A_138 = arith.maximumf %broadcast_in_dim3A_135, %max3A_137 : vector<1x2048xf32>
      %sqrt3A_139 = math.sqrt %max3A_138 : vector<1x2048xf32>
      %slice3A = vector.extract_strided_slice %dot_general3A_132 {offsets = [0, 0], sizes = [1024, 128], strides = [1, 1]} : vector<1024x2048xf32> to vector<1024x128xf32>
      %slice3A_140 = vector.extract_strided_slice %dot_general3A_132 {offsets = [0, 128], sizes = [1024, 128], strides = [1, 1]} : vector<1024x2048xf32> to vector<1024x128xf32>
      %min3A = arith.minimumf %slice3A, %slice3A_140 : vector<1024x128xf32>
      %slice3A_141 = vector.extract_strided_slice %dot_general3A_132 {offsets = [0, 256], sizes = [1024, 128], strides = [1, 1]} : vector<1024x2048xf32> to vector<1024x128xf32>
      %min3A_142 = arith.minimumf %min3A, %slice3A_141 : vector<1024x128xf32>
      %slice3A_143 = vector.extract_strided_slice %dot_general3A_132 {offsets = [0, 384], sizes = [1024, 128], strides = [1, 1]} : vector<1024x2048xf32> to vector<1024x128xf32>
      %min3A_144 = arith.minimumf %min3A_142, %slice3A_143 : vector<1024x128xf32>
      %slice3A_145 = vector.extract_strided_slice %dot_general3A_132 {offsets = [0, 512], sizes = [1024, 128], strides = [1, 1]} : vector<1024x2048xf32> to vector<1024x128xf32>
      %min3A_146 = arith.minimumf %min3A_144, %slice3A_145 : vector<1024x128xf32>
      %slice3A_147 = vector.extract_strided_slice %dot_general3A_132 {offsets = [0, 640], sizes = [1024, 128], strides = [1, 1]} : vector<1024x2048xf32> to vector<1024x128xf32>
      %min3A_148 = arith.minimumf %min3A_146, %slice3A_147 : vector<1024x128xf32>
      %slice3A_149 = vector.extract_strided_slice %dot_general3A_132 {offsets = [0, 768], sizes = [1024, 128], strides = [1, 1]} : vector<1024x2048xf32> to vector<1024x128xf32>
      %min3A_150 = arith.minimumf %min3A_148, %slice3A_149 : vector<1024x128xf32>
      %slice3A_151 = vector.extract_strided_slice %dot_general3A_132 {offsets = [0, 896], sizes = [1024, 128], strides = [1, 1]} : vector<1024x2048xf32> to vector<1024x128xf32>
      %min3A_152 = arith.minimumf %min3A_150, %slice3A_151 : vector<1024x128xf32>
      %slice3A_153 = vector.extract_strided_slice %dot_general3A_132 {offsets = [0, 1024], sizes = [1024, 128], strides = [1, 1]} : vector<1024x2048xf32> to vector<1024x128xf32>
      %min3A_154 = arith.minimumf %min3A_152, %slice3A_153 : vector<1024x128xf32>
      %slice3A_155 = vector.extract_strided_slice %dot_general3A_132 {offsets = [0, 1152], sizes = [1024, 128], strides = [1, 1]} : vector<1024x2048xf32> to vector<1024x128xf32>
      %min3A_156 = arith.minimumf %min3A_154, %slice3A_155 : vector<1024x128xf32>
      %slice3A_157 = vector.extract_strided_slice %dot_general3A_132 {offsets = [0, 1280], sizes = [1024, 128], strides = [1, 1]} : vector<1024x2048xf32> to vector<1024x128xf32>
      %min3A_158 = arith.minimumf %min3A_156, %slice3A_157 : vector<1024x128xf32>
      %slice3A_159 = vector.extract_strided_slice %dot_general3A_132 {offsets = [0, 1408], sizes = [1024, 128], strides = [1, 1]} : vector<1024x2048xf32> to vector<1024x128xf32>
      %min3A_160 = arith.minimumf %min3A_158, %slice3A_159 : vector<1024x128xf32>
      %slice3A_161 = vector.extract_strided_slice %dot_general3A_132 {offsets = [0, 1536], sizes = [1024, 128], strides = [1, 1]} : vector<1024x2048xf32> to vector<1024x128xf32>
      %min3A_162 = arith.minimumf %min3A_160, %slice3A_161 : vector<1024x128xf32>
      %slice3A_163 = vector.extract_strided_slice %dot_general3A_132 {offsets = [0, 1664], sizes = [1024, 128], strides = [1, 1]} : vector<1024x2048xf32> to vector<1024x128xf32>
      %min3A_164 = arith.minimumf %min3A_162, %slice3A_163 : vector<1024x128xf32>
      %slice3A_165 = vector.extract_strided_slice %dot_general3A_132 {offsets = [0, 1792], sizes = [1024, 128], strides = [1, 1]} : vector<1024x2048xf32> to vector<1024x128xf32>
      %min3A_166 = arith.minimumf %min3A_164, %slice3A_165 : vector<1024x128xf32>
      %slice3A_167 = vector.extract_strided_slice %dot_general3A_132 {offsets = [0, 1920], sizes = [1024, 128], strides = [1, 1]} : vector<1024x2048xf32> to vector<1024x128xf32>
      %min3A_168 = arith.minimumf %min3A_166, %slice3A_167 : vector<1024x128xf32>
      %get3A_169 = arith.constant 0 : index
      %get3A_170 = arith.constant 0 : index
      %get3A_171 = vector.load %arg7[%get3A_169, %get3A_170] : memref<1024x128xf32, #tpu.memory_space<vmem>>, vector<1024x128xf32>
      %min3A_172 = arith.minimumf %get3A_171, %min3A_168 : vector<1024x128xf32>
      %swap3A_173 = arith.constant 0 : index
      %swap3A_174 = arith.constant 0 : index
      %swap3A_175 = vector.load %arg7[%swap3A_173, %swap3A_174] : memref<1024x128xf32, #tpu.memory_space<vmem>>, vector<1024x128xf32>
      tpu.vector_store %arg7[%swap3A_173, %swap3A_174], %min3A_172 {strides = array<i32>} : memref<1024x128xf32, #tpu.memory_space<vmem>>, vector<1024x128xf32>,
      %jit3A_176 = arith.constant 0.000000e+00 : f32
      %broadcast_in_dim3A_177 = vector.broadcast %jit3A_176 : f32 to vector<1x2048xf32>
      %select_n3A_178 = arith.select %and3A_99, %sqrt3A_139, %broadcast_in_dim3A_177 : vector<1x2048xi1>, vector<1x2048xf32>
      %reduce_sum3A_179 = vector.shape_cast %select_n3A_178 : vector<1x2048xf32> to vector<1x1x2048xf32>
      %reduce_sum3A_180 = arith.constant dense<0.000000e+00> : vector<1xf32>
      %reduce_sum3A_181 = vector.multi_reduction <add>, %reduce_sum3A_179, %reduce_sum3A_180 [1, 2] : vector<1x1x2048xf32> to vector<1xf32>
      %reduce_sum3A_182 = vector.shape_cast %reduce_sum3A_181 : vector<1xf32> to vector<1x1x1xf32>
      %reduce_sum3A_183 = vector.extract %reduce_sum3A_182[0, 0, 0] : f32 from vector<1x1x1xf32>
      %add3A_184 = arith.addf %while3A_83, %reduce_sum3A_183 : f32
      scf.yield %add3A_184 : f32
    }
    %get3A_60 = arith.constant 0 : index
    %get3A_61 = arith.constant 0 : index
    %get3A_62 = vector.load %arg7[%get3A_60, %get3A_61] : memref<1024x128xf32, #tpu.memory_space<vmem>>, vector<1024x128xf32>
    %reduce_min3A = arith.constant dense<0x7F800000> : vector<1024xf32>
    %reduce_min3A_63 = vector.multi_reduction <minimumf>, %get3A_62, %reduce_min3A [1] : vector<1024x128xf32> to vector<1024xf32>
    %get3A_64 = arith.constant 0 : index
    %get3A_65 = memref.load %arg8[%get3A_64] : memref<1xf32, #tpu.memory_space<smem>>
    %max3A = arith.constant 0.000000e+00 : f32
    %max3A_66 = vector.broadcast %max3A : f32 to vector<1024xf32>
    %max3A_67 = arith.maximumf %reduce_min3A_63, %max3A_66 : vector<1024xf32>
    %sqrt3A = math.sqrt %max3A_67 : vector<1024xf32>
    %reduce_sum3A_68 = vector.shape_cast %sqrt3A : vector<1024xf32> to vector<1x1024xf32>
    %reduce_sum3A_69 = arith.constant dense<0.000000e+00> : vector<1xf32>
    %reduce_sum3A_70 = vector.multi_reduction <add>, %reduce_sum3A_68, %reduce_sum3A_69 [1] : vector<1x1024xf32> to vector<1xf32>
    %reduce_sum3A_71 = vector.shape_cast %reduce_sum3A_70 : vector<1xf32> to vector<1x1xf32>
    %reduce_sum3A_72 = vector.extract %reduce_sum3A_71[0, 0] : f32 from vector<1x1xf32>
    %add3A_73 = arith.addf %while3A_59, %reduce_sum3A_72 : f32
    %add3A_74 = arith.addf %get3A_65, %add3A_73 : f32
    %swap3A_75 = arith.constant 0 : index
    %swap3A_76 = memref.load %arg8[%swap3A_75] : memref<1xf32, #tpu.memory_space<smem>>
    memref.store %add3A_74, %arg8[%swap3A_75] : memref<1xf32, #tpu.memory_space<smem>>
    %eq3A_77 = arith.constant 3 : i32
    %eq3A_78 = arith.cmpi eq, %arg0, %eq3A_77 : i32
    %convert_element_type3A_79 = arith.extui %eq3A_78 : i1 to i32
    %cond3A_80 = arith.constant 0 : i32
    %cond3A_81 = arith.cmpi ne, %convert_element_type3A_79, %cond3A_80 : i32
    scf.if %cond3A_81 {
      %get3A_82 = arith.constant 0 : index
      %get3A_83 = memref.load %arg8[%get3A_82] : memref<1xf32, #tpu.memory_space<smem>>
      %reshape3A = vector.broadcast %get3A_83 : f32 to vector<1x1xf32>
      %swap3A_84 = arith.constant 0 : index
      %swap3A_85 = arith.constant 0 : index
      %swap3A_86 = vector.load %arg6[%swap3A_84, %swap3A_85] : memref<1x1xf32, #tpu.memory_space<vmem>>, vector<1x1xf32>
      tpu.vector_store %arg6[%swap3A_84, %swap3A_85], %reshape3A {strides = array<i32>} : memref<1x1xf32, #tpu.memory_space<vmem>>, vector<1x1xf32>,
    } else {
    }
    return
  }
  func.func @transform_0(%arg0: i32) -> (i32, i32) {
    %c0_i32 = arith.constant 0 : i32
    %c0_i32_0 = arith.constant 0 : i32
    %c0_i32_1 = arith.constant 0 : i32
    return %c0_i32, %c0_i32_0 : i32, i32
  }
  func.func @transform_1(%arg0: i32) -> (i32, i32, i32) {
    %c0_i32 = arith.constant 0 : i32
    %c0_i32_0 = arith.constant 0 : i32
    %c0_i32_1 = arith.constant 0 : i32
    return %arg0, %c0_i32, %c0_i32_0 : i32, i32, i32
  }
  func.func @transform_2(%arg0: i32) -> (i32, i32, i32) {
    %c0_i32 = arith.constant 0 : i32
    %c0_i32_0 = arith.constant 0 : i32
    %c0_i32_1 = arith.constant 0 : i32
    return %arg0, %c0_i32, %c0_i32_0 : i32, i32, i32
  }
  func.func @transform_3(%arg0: i32) -> (i32, i32, i32) {
    %c0_i32 = arith.constant 0 : i32
    %c0_i32_0 = arith.constant 0 : i32
    %c0_i32_1 = arith.constant 0 : i32
    return %arg0, %c0_i32, %c0_i32_0 : i32, i32, i32
  }
  func.func @transform_4(%arg0: i32) -> (i32, i32, i32) {
    %c0_i32 = arith.constant 0 : i32
    %c0_i32_0 = arith.constant 0 : i32
    %c0_i32_1 = arith.constant 0 : i32
    return %arg0, %c0_i32, %c0_i32_0 : i32, i32, i32
  }
  func.func @transform_5(%arg0: i32) -> (i32, i32) {
    %c0_i32 = arith.constant 0 : i32
    %c0_i32_0 = arith.constant 0 : i32
    %c0_i32_1 = arith.constant 0 : i32
    return %c0_i32, %c0_i32_0 : i32, i32
  }
}

</mosaic_0001>

<sc_bundles>
// kernel: kernel.4.cloned.1.call-start
scs
__scs_entry_jumppad:
0x0: {  	(pc) =	sbr.rel $0x88, $3  }
0x1: {  	(tag) =	ssettag $0x0;
	lr =	simm.s32 $0x1  }
0x2: {  	[smem:$0x3F9F] =	sst lr;
	_ =	strace $0xD0000000  }
0x3: {  	_ = 	snop  }
0x4: {  	_ = 	snop  }
0x5: {  	_ = 	snop  }
0x6: {  	_ = 	snop  }
0x7: {  	_ = 	snop  }
__scs_overlays_trampoline_lowered:
0x8: {  	[smem:$0x3FAE] =	sst s0  }
0x9: {  	[smem:$0x3FAF] =	sst s1  }
0xa: {  	[smem:$0x3FB0] =	sst s2  }
0xb: {  	[smem:$0x3FB1] =	sst s3  }
0xc: {  	[smem:$0x3FB2] =	sst s4  }
0xd: {  	[smem:$0x3FB3] =	sst s5  }
0xe: {  	[smem:$0x3FB4] =	sst s6  }
0xf: {  	[smem:$0x3FB5] =	sst s7  }
0x10: {  	[smem:$0x3FB6] =	sst s8  }
0x11: {  	[smem:$0x3FB7] =	sst s9;
	s0 =	simm.s32 @!p0 $0x0  }
0x12: {  	s1 =	sld [smem:$0x3F9D];
	s0 =	simm.s32 @p0 $0x1  }
0x13: {  	[smem:$0x3FB8] =	sst s0;
	s0 =	simm.s32 @!p1 $0x0  }
0x14: {  	s2 =	sld [smem:$0x3F9C];
	s0 =	simm.s32 @p1 $0x1  }
0x15: {  	[smem:$0x3FB9] =	sst s0;
	s0 =	simm.s32 @!p2 $0x0  }
0x16: {  	s3 =	sld [smem:$0x3FDB];
	s0 =	simm.s32 @p2 $0x1  }
0x17: {  	s4 =	simm.s32 $0x1BF5;
	[smem:$0x3FBB] =	sst s0  }
0x18: {  	s0 =	sld [smem:$0x3F9E];
	_ =	swait.ge [sflag:s4], $0x0  }
0x19: {  	s7 =	sld [smem:$0x3F9F]  }
0x1a: {  	s8 =	sadd.s32 $0xFFFFE003, lr  }
0x1b: {  	s9 =	sadd.s32 $0xFFFFFEF7, lr;
	s5 =	simm.s32 $0xFFFFFFFF;
	p2 =	slt.u32 s8, $0xFFFFF086  }
0x1c: {  	p1 =	slt.u32 s9, $0xF7A;
	s5 =	simm.s32 @!p2 $0x0  }
0x1d: {  	s5 =	simm.s32 @p1 $0x1;
	p0 =	seq.s32 s7, s2  }
0x1e: {  	s7 =	smul.u32 @!p0 $0xF7A, s2;
	p2 =	seq.s32 @!p0 s5, $0x0  }
0x1f: {  	s9 =	smul.u32 $0xF7A, s1;
	s8 =	simm.s32 @!p0 $0x1BF5;
	p2 =	por !p2, p0  }
0x20: {  	[sflag:s8] =	ssyncset.s32 @!p0 $0xFFFFF086;
	s6 =	sadd.s32 @!p0 s3, s7;
	s7 =	simm.s32 @!p0 $0x108  }
0x21: {  	s3 =	sadd.s32 s3, s9;
	s6 =	sadd.s32 @!p0 $0x88, s6;
	s7 =	simm.s32 @p2 $0x1082  }
0x22: {  	[simem:s7], [sflag:s8] =	dma.local @!p0 [hbm:s6], $0xF7A  }
0x23: {  	s9 =	sor.u32 $0xD0000000, s2;
	s6 =	simm.s32 $0x108;
	_ =	swait.ge @!p0 [sflag:s8], $0x0  }
0x24: {  	s3 =	sadd.s32 $0x88, s3;
	s6 =	simm.s32 @!p1 $0x1082;
	[sflag:s4] =	ssyncset.s32 $0xFFFFF086  }
0x25: {  	[simem:s6], [sflag:s4] =	dma.local [hbm:s3], $0xF7A  }
0x26: {  	[smem:$0x3F9F] =	sst s1;
	(tag) =	ssettag s2;
	_ =	strace s9  }
0x27: {  	s1 =	sld [smem:$0x3FAF]  }
0x28: {  	s2 =	sld [smem:$0x3FB0]  }
0x29: {  	s4 =	sld [smem:$0x3FB2]  }
0x2a: {  	p0 =	seq.s32 s5, $0x0;
	s5 =	sld [smem:$0x3FB3]  }
0x2b: {  	s6 =	sld [smem:$0x3FB4]  }
0x2c: {  	s7 =	sld [smem:$0x3FB5]  }
0x2d: {  	s3 =	simm.s32 $0x108;
	s8 =	sld [smem:$0x3FB6]  }
0x2e: {  	s3 =	simm.s32 @!p0 $0x1082;
	s9 =	sld [smem:$0x3FB7]  }
0x2f: {  	lr =	sadd.s32 s0, s3;
	s0 =	sld [smem:$0x3FAE]  }
0x30: {  	s3 =	sld [smem:$0x3FB1]  }
0x31: {  	[smem:$0x3FBA] =	sst s10  }
0x32: {  	s10 =	sld [smem:$0x3FB8];
	_ =	sdelay $0x3  }
0x33: {  	p0 =	seq.s32 s10, $0x1;
	s10 =	sld [smem:$0x3FBA];
	_ =	sdelay $0x3  }
0x34: {  	[smem:$0x3FBA] =	sst s10  }
0x35: {  	s10 =	sld [smem:$0x3FB9];
	_ =	sdelay $0x3  }
0x36: {  	p1 =	seq.s32 s10, $0x1;
	s10 =	sld [smem:$0x3FBA];
	_ =	sdelay $0x3  }
0x37: {  	[smem:$0x3FBA] =	sst s10  }
0x38: {  	s10 =	sld [smem:$0x3FBB]  }
0x39: {  	_ = 	snop;
	(pc) =	sbr.ind lr, $3  }
0x3a: {  	_ = 	snop  }
0x3b: {  	_ = 	snop  }
0x3c: {  	p2 =	seq.s32 s10, $0x1;
	s10 =	sld [smem:$0x3FBA]  }
0x3d: {  	_ =	shalt  }
0x3e: {  	_ =	shalt  }
0x3f: {  	_ =	shalt  }
0x40: {  	_ =	shalt  }
0x41: {  	_ =	shalt  }
0x42: {  	_ =	shalt  }
0x43: {  	_ =	shalt  }
0x44: {  	_ =	shalt  }
0x45: {  	_ =	shalt  }
0x46: {  	_ =	shalt  }
0x47: {  	_ =	shalt  }
0x48: {  	_ =	shalt  }
0x49: {  	_ =	shalt  }
0x4a: {  	_ =	shalt  }
0x4b: {  	_ =	shalt  }
0x4c: {  	_ =	shalt  }
0x4d: {  	_ =	shalt  }
0x4e: {  	_ =	shalt  }
0x4f: {  	_ =	shalt  }
0x50: {  	_ =	shalt  }
0x51: {  	_ =	shalt  }
0x52: {  	_ =	shalt  }
0x53: {  	_ =	shalt  }
0x54: {  	_ =	shalt  }
0x55: {  	_ =	shalt  }
0x56: {  	_ =	shalt  }
0x57: {  	_ =	shalt  }
0x58: {  	_ =	shalt  }
0x59: {  	_ =	shalt  }
0x5a: {  	_ =	shalt  }
0x5b: {  	_ =	shalt  }
0x5c: {  	_ =	shalt  }
0x5d: {  	_ =	shalt  }
0x5e: {  	_ =	shalt  }
0x5f: {  	_ =	shalt  }
0x60: {  	_ =	shalt  }
0x61: {  	_ =	shalt  }
0x62: {  	_ =	shalt  }
0x63: {  	_ =	shalt  }
0x64: {  	_ =	shalt  }
0x65: {  	_ =	shalt  }
0x66: {  	_ =	shalt  }
0x67: {  	_ =	shalt  }
0x68: {  	_ =	shalt  }
0x69: {  	_ =	shalt  }
0x6a: {  	_ =	shalt  }
0x6b: {  	_ =	shalt  }
0x6c: {  	_ =	shalt  }
0x6d: {  	_ =	shalt  }
0x6e: {  	_ =	shalt  }
0x6f: {  	_ =	shalt  }
0x70: {  	_ =	shalt  }
0x71: {  	_ =	shalt  }
0x72: {  	_ =	shalt  }
0x73: {  	_ =	shalt  }
0x74: {  	_ =	shalt  }
0x75: {  	_ =	shalt  }
0x76: {  	_ =	shalt  }
0x77: {  	_ =	shalt  }
0x78: {  	_ =	shalt  }
0x79: {  	_ =	shalt  }
0x7a: {  	_ =	shalt  }
0x7b: {  	_ =	shalt  }
0x7c: {  	_ =	shalt  }
0x7d: {  	_ =	shalt  }
0x7e: {  	_ =	shalt  }
0x7f: {  	_ =	shalt  }
0x80: {  	_ =	shalt  }
0x81: {  	_ =	shalt  }
0x82: {  	_ =	shalt  }
0x83: {  	_ =	shalt  }
0x84: {  	_ =	shalt  }
0x85: {  	_ =	shalt  }
0x86: {  	_ =	shalt  }
0x87: {  	_ =	shalt  }
.Lfunc_end0:
.L_simem_size_0:
called_computation_lowered:
.L_overlay_start_0:
0x88: {  	s2 =	sld [smem:$0x3FD9]  }
0x89: {  	s3 =	sld [smem:$0x3FFE];
	_ =	sdelay $0x1  }
0x8a: {  	s1 =	srdreg.scid  }
0x8b: {  	s0 =	sand.u32 $0x1, s1  }
0x8c: {  	s17 =	sshll.u32 s0, $0xA;
	s2 =	sadd.s32 s3, s2  }
0x8d: {  	s2 =	sadd.s32 s2, s17  }
0x8e: {  	[smem:$0x3FC6] =	sst s2  }
0x8f: {  	_ = 	snop  }
0x90: {  	s2 =	sld [smem:$0x3FC8]  }
0x91: {  	s18 =	sld [smem:$0x3FD0];
	(tm) =	ssettm $0x1  }
0x92: {  	s4 =	sld [smem:$0x3FFB];
	_ =	sdelay $0x3  }
0x93: {  	_ =	strace s4  }
0x94: {  	s4 =	sld [smem:$0x3FFC];
	_ =	sdelay $0x3  }
0x95: {  	_ =	strace s4  }
0x96: {  	s4 =	sld [smem:$0x3FFD];
	_ =	sdelay $0x3  }
0x97: {  	_ =	strace s4  }
0x98: {  	_ =	strace $0x8FFFFFFF  }
0x99: {  	s19 =	sld [smem:$0x3FDB];
	_ =	sdelay $0x1  }
0x9a: {  	s5 =	simm.s32 $_scs_section_size  }
0x9b: {  	s6 =	simm.s32 $_size__tile_overlayer_lowered;
	s7 =	simm.s32 $_tile_overlayer_lowered  }
0x9c: {  	s22 =	simm.s32 $0x1BFF;
	s21 =	sshll.u32 s7, $0x1;
	s4 =	sadd.s32 s5, s19  }
0x9d: {  	s8 =	simm.s32 $0x0;
	s20 =	sshll.u32 s6, $0x1;
	s6 =	sadd.s32 s21, s4  }
0x9e: {  	[timem:s8], [sflag:s22] =	dma.local [hbm:s6], s20  }
0x9f: {  	_ =	swait.ge [sflag:s22], s20  }
0xa0: {  	s5 =	ssub.s32 $0x0, s20;
	[sflag:s22] =	ssyncset.done $0x0  }
0xa1: {  	[sflag:s22] =	ssyncadd.s32 s5;
	_ =	sdelay $0x1  }
0xa2: {  	s23 =	simm.s32 $0x1B8B  }
0xa3: {  	_ =	swait.ge [sflag:s23], $0x1  }
0xa4: {  	[sflag:s23] =	ssyncset.done $0x0  }
0xa5: {  	s25 =	simm.s32 $0x1B8E;
	s24 =	sld [smem:$0x3FFE];
	[sflag:s23] =	ssyncadd.s32 $0xFFFFFFFF  }
0xa6: {  	s26 =	simm.s32 $execute0_lowered;
	[smem:$0x3FD2] =	sst s25  }
0xa7: {  	s6 =	sshll.u32 s26, $0x1;
	_ =	strace $0x80000046;
	[dreg:$0x1] =	wrdreg $0xFFFFFFFF  }
0xa8: {  	s28 =	simm.s32 $_size_execute0_lowered;
	s4 =	sadd.s32 s4, s6;
	[dreg:$0x0] =	wrdreg $0x0  }
0xa9: {  	s6 =	sshll.u32 s28, $0x1;
	[dreg:$0x2] =	wrdreg s4  }
0xaa: {  	[dreg:$0x3] =	wrdreg s6  }
0xab: {  	[dreg:$0x4] =	wrdreg $0xC0  }
0xac: {  	_ =	task [dreg:s8], $0x5FFFF  }
0xad: {  	[dreg:$0x1] =	wrdreg $0xFFFFFFFF  }
0xae: {  	[dreg:$0x0] =	wrdreg $0x60  }
0xaf: {  	[dreg:$0x2] =	wrdreg s2  }
0xb0: {  	[dreg:$0x3] =	wrdreg s24  }
0xb1: {  	[dreg:$0x4] =	wrdreg s18  }
0xb2: {  	[dreg:$0x5] =	wrdreg $0x9  }
0xb3: {  	_ =	task.clear_ibuf [dreg:s8], $0x6FFFF;
	_ =	strace $0x90000046  }
0xb4: {  	s29 =	simm.s32 $0x9;
	_ =	strace $0x80000048  }
0xb5: {  	_ =	swait.ge [sflag:s29], $0x1  }
0xb6: {  	[sflag:s29] =	ssyncadd.s32 $0xFFFFFFFF  }
0xb7: {  	_ =	strace $0x90000048  }
0xb8: {  	_ =	sfence  }
0xb9: {  	s30 =	sld [smem:$0x0];
	_ =	sdelay $0x2  }
0xba: {  	s31 =	sshll.u32 s1, $0xD;
	s1 =	sshrl.u32 s1, $0x2  }
0xbb: {  	s3 =	sand.u32 $0x4000, s31;
	s1 =	sadd.s32 s1, s30  }
0xbc: {  	s0 =	sor.u32 s3, s0;
	s1 =	sshll.u32 s1, $0x11  }
0xbd: {  	s0 =	sor.u32 s1, s0  }
0xbe: {  	s0 =	sadd.s32 $0x8F2B, s0  }
0xbf: {  	[sflag:s0] =	ssyncadd.remote.s32 $0x1  }
0xc0: {  	_ =	sfence.sel $0xFFFF  }
0xc1: {  	[dreg:$0x0] =	wrdreg $0xFFFFFFFF;
	(pc) =	sbr.abs _section_cstart, $3  }
0xc2: {  	[dreg:$0x1] =	wrdreg $0xFFFFFFFF  }
0xc3: {  	_ =	task.clear_ibuf [dreg:s8], $0x2FFFF;
	_ =	strace $0x9FFFFFFF  }
0xc4: {  	(tm) =	ssettm $0x7FFFFFFF  }
0xc5: {  	_ =	shalt  }
tec
execute0_lowered:
.L_overlay_start_1:
0x0: {  	(tag) =	ssettag $0x1  }
0x1: {  	s8 =	rddreg [dreg:$0x0]  }
0x2: {  	s6 =	rddreg [dreg:$0x1]  }
0x3: {  	s9 =	rddreg [dreg:$0x2]  }
0x4: {  	s0 =	rddreg [dreg:$0x3];
	s3 =	srdreg.scid;
	s2 =	simm.s32 $0x0  }
0x5: {  	s1 =	stileid.u32;
	s16 =	simm.s32 $0x1;
	s17 =	simm.s32 $0x0  }
0x6: {  	s10 =	sand.u32 $0x1, s3;
	[smem:$0x7FF] =	sst s2;
	s11 =	sshrl.u32 s1, $0x3  }
0x7: {  	s4 =	sshll.u32 s1, $0xB;
	s5 =	sadd.s32 $0x2E00, s6;
	s3 =	sshll.u32 s10, $0x1  }
0x8: {  	_ =	strace $0x80000047;
	s4 =	sand.u32 $0x3800, s4;
	s13 =	ssub.s32 $0x2, s10  }
0x9: {  	s31 =	sshll.u32 s10, $0xF;
	s12 =	sor.u32 s11, s3;
	s3 =	sadd.s32 $0xE00, s6  }
0xa: {  	s6 =	sadd.s32 $0x4E00, s6;
	s14 =	sshrl.u32 s13, $0x1;
	s11 =	sshll.u32 s11, $0xE  }
.Ltmp0:
0xb: {  	s7 =	sshll.u32 s12, $0xE;
	s13 =	ssub.s32 s13, s14;
	(pc) =	sbr.rel .LBB2_1-.Ltmp0, $4  }
0xc: {  	s9 =	sadd.s32 s9, s12;
	s11 =	sor.u32 s11, s31;
	s12 =	simm.s32 $0x2  }
0xd: {  	s14 =	simm.s32 $0x1000;
	s7 =	sor.u32 s4, s7;
	s10 =	smax.u32 s13, $0x1  }
0xe: {  	s13 =	simm.s32 $0x800;
	s15 =	sshrl.u32 s7, $0x3;
	s7 =	sand.u32 $0x8, s1  }
0xf: {  	v0 =	vlaneseq.u32;
	v1 =	vimm.f32 $1.000000000e+00;
	s8 =	sadd.s32 s8, s15;
	s15 =	simm.s32 $0x1800;
	p0 =	sne.s32 s1, s7  }
.LBB2_8:
0x10: {  	s24 =	simm.s32 $0x800  }
.LBB2_12:
0x11: {  	s22 =	sadd.s32 @p1 $0x100, s24  }
0x12: {  	s23 =	sadd.s32 s3, s20;
	[sflag:s12] =	ssyncadd.s32 @p1 $0xFFFFFF00;
	s19 =	smov.u32 @p1 s22  }
0x13: {  	[hbm4b:s23+s2] =	stream.linear.scatter [tilespmem:s19], [sflag:$0x2], $0x100, $0x38;
	[tilespmem:$0x2080] =	vst v63  }
0x14: {  	_ =	swait.ge [sflag:s12], $0x100  }
0x15: {  	[sflag:s12] =	ssyncset.done $0x0  }
0x16: {  	s30 =	sadd.s32 s5, s20;
	[sflag:s12] =	ssyncadd.s32 $0xFFFFFF00  }
0x17: {  	[hbm4b:s30+s2] =	stream.linear.scatter [tilespmem:s21], [sflag:$0x2], $0x100, $0x38;
	[tilespmem:$0x2080] =	vst v63  }
0x18: {  	_ =	swait.ge [sflag:s12], $0x100  }
0x19: {  	[sflag:s12] =	ssyncset.done $0x0  }
0x1a: {  	s31 =	sadd.s32 s6, s20;
	[sflag:s12] =	ssyncadd.s32 $0xFFFFFF00  }
0x1b: {  	[hbm4b:s31+s2] =	stream.linear.scatter [tilespmem:s18], [sflag:$0x2], $0x100, $0x38;
	[tilespmem:$0x2080] =	vst v63  }
0x1c: {  	_ =	swait.ge [sflag:s12], $0x100  }
0x1d: {  	[sflag:s12] =	ssyncset.done $0x0  }
0x1e: {  	[sflag:s12] =	ssyncadd.s32 $0xFFFFFF00  }
.LBB2_13:
0x1f: {  	[bflag:$0x0] =	sbarrier.arrive $0xFFFF  }
0x20: {  	s18 =	sld @!p0 [smem:$0x0];
	_ =	sdelay $0x2  }
0x21: {  	s17 =	sadd.s32 $0x1, s17;
	v2 =	vmov @!p0 s18  }
0x22: {  	s19 =	simm.s32 @!p0 $0x2000;
	p1 =	sne.s32 s17, s10;
	s18 =	simm.s32 @!p0 $0x0;
	[tilespmem:$0x2000] =	vst @!p0 v2  }
0x23: {  	[hbm4b:s9+s18] =	stream.linear.scatter @!p0 [tilespmem:s19], [sflag:$0x2], $0x8, $0x38;
	[tilespmem:$0x2080] =	vst v63  }
.Ltmp1:
0x24: {  	_ = 	snop;
	(pc) =	sbr.rel @!p1 .LBB2_14-.Ltmp1, $4  }
0x25: {  	s18 =	simm.s32 @!p0 $0x2  }
0x26: {  	_ =	swait.ge @!p0 [sflag:s18], $0x8  }
0x27: {  	[sflag:s18] =	ssyncset.done @!p0 $0x0  }
0x28: {  	[sflag:s18] =	ssyncadd.s32 @!p0 $0xFFFFFFF8  }
.LBB2_1:
0x29: {  	[smem:$0x0] =	sst s2  }
0x2a: {  	[bflag:$0x0] =	sbarrier.arrive $0xFFFF  }
0x2b: {  	[tilespmem:s2], [sflag:$0x2] =	stream.linear.gather [hbm4b:s8+s2], $0x800, $0x38;
	[tilespmem:$0x2080] =	vst v63  }
0x2c: {  	_ =	swait.ge [sflag:s12], $0x800  }
0x2d: {  	[sflag:s12] =	ssyncset.done $0x0  }
0x2e: {  	s18 =	simm.s32 $0x0;
	[sflag:s12] =	ssyncadd.s32 $0xFFFFF800  }
0x2f: {  	v2 =	vld [tilespmem:s18+$0x0];
	_ =	sdelay $0x4  }
0x30: {  	vm0 =	vlt.s32 v2, $0x1  }
0x31: {  	v3 =	vnsel vm0, $0x1, v2  }
0x32: {  	(xrf0) =	vadd.scan.msk.s32 $0xffff, v3;
	_ =	sdelay $0x2  }
0x33: {  	v3 =	vmov s2  }
0x34: {  	v3 =	vadd.s32 $0xFFFFFFFF, v3  }
0x35: {  	v3 =	vbroadcast v3, $0x0  }
0x36: {  	v5 =	vmov s4;
	vm15 =	vgt.s32 v2, $0x0;
	v2 =	vor.u32 s4, v0;
	v4, _, _ =	vpop (xrf0)  }
0x37: {  	v2 =	vand.u32 $0x7F, v2;
	v3 =	vadd.s32 v4, v3;
	(v2sf) =	vpush v4, $0xF  }
0x38: {  	v5 =	vshrl.u32 v5, $0x7;
	v2 =	vcvt.s32.f32 v2  }
0x39: {  	v5 =	vcvt.s32.f32 v5  }
0x3a: {  	v2 =	vmul.f32 $7.812500000e-03, v2  }
0x3b: {  	v5 =	vmul.f32 $7.812500000e-03, v5  }
0x3c: {  	[tilespmem:v3+s13+$0x0] =	vst.idx.msk vm15, v2  }
0x3d: {  	s21 =	simm.s32 $0x10;
	[tilespmem:v3+s14+$0x0] =	vst.idx.msk vm15, v5  }
0x3e: {  	s20 =	simm.s32 $0x80;
	s19 =	simm.s32 $0x0;
	s18 =	smov.u32 s4;
	[tilespmem:v3+s15+$0x0] =	vst.idx.msk vm15, v1  }
.LBB2_2:
0x3f: {  	p1 =	sne.s32 s20, $0x1FC0;
	v2 =	vld [tilespmem:s21+$0x0];
	_ =	sdelay $0x4  }
0x40: {  	vm0 =	vgt.s32 v2, $0x0;
	vm1 =	vlt.s32 v2, $0x1  }
0x41: {  	v2 =	vnsel vm1, $0x1, v2  }
0x42: {  	(xrf0) =	vadd.scan.msk.s32 $0xffff, v2;
	s21 =	spop (v2sf)  }
0x43: {  	s19 =	sadd.s32 s19, s21  }
0x44: {  	v2 =	vmov s19  }
0x45: {  	v2 =	vadd.s32 $0xFFFFFFFF, v2  }
0x46: {  	v2 =	vbroadcast v2, $0x0  }
0x47: {  	s18 =	sadd.s32 $0x10, s18  }
0x48: {  	v3 =	vmov s18;
	v4 =	vor.u32 s18, v0;
	v5, _, _ =	vpop (xrf0)  }
0x49: {  	v4 =	vand.u32 $0x7F, v4;
	v2 =	vadd.s32 v5, v2;
	(v2sf) =	vpush v5, $0xF  }
0x4a: {  	v3 =	vshrl.u32 v3, $0x7;
	v4 =	vcvt.s32.f32 v4  }
0x4b: {  	v3 =	vcvt.s32.f32 v3  }
.Ltmp2:
0x4c: {  	v4 =	vmul.f32 $7.812500000e-03, v4;
	(pc) =	sbr.rel @p1 .LBB2_2-.Ltmp2, $4  }
0x4d: {  	v3 =	vmul.f32 $7.812500000e-03, v3  }
0x4e: {  	[tilespmem:v2+s13+$0x0] =	vst.idx.msk vm0, v4  }
0x4f: {  	[tilespmem:v2+s14+$0x0] =	vst.idx.msk vm0, v3  }
0x50: {  	s21 =	sshra.s32 s20, $0x2;
	s20 =	sadd.s32 $0x40, s20;
	[tilespmem:v2+s15+$0x0] =	vst.idx.msk vm0, v1  }
0x51: {  	v2 =	vld [tilespmem:s21+$0x0];
	_ =	sdelay $0x4  }
0x52: {  	vm0 =	vlt.s32 v2, $0x1  }
0x53: {  	v3 =	vnsel vm0, $0x1, v2  }
0x54: {  	(xrf0) =	vadd.scan.msk.s32 $0xffff, v3;
	_ =	sdelay $0x5  }
0x55: {  	v3, _, _ =	vpop (xrf0)  }
0x56: {  	(v2sf) =	vpush v3, $0xF;
	_ =	sdelay $0xd  }
0x57: {  	s20 =	spop (v2sf)  }
0x58: {  	s20 =	sadd.s32 s19, s20;
	s22 =	spop (v2sf)  }
0x59: {  	s18 =	sadd.s32 $0x10, s18;
	s21 =	simm.s32 $0x1;
	s19 =	sadd.s32 s20, s22  }
0x5a: {  	s23 =	sadd.s32 $0xFF, s19;
	s28 =	sand.u32 $0xF, s19;
	s29 =	sshra.s32 s19, $0x1F  }
0x5b: {  	p5 =	slt.s32 s19, $0x1;
	s24 =	sand.u32 $0xFF, s23;
	s22 =	sshra.s32 s23, $0x1F  }
0x5c: {  	p1 =	slt.s32 s23, $0x1;
	p6 =	sne.s32 s28, $0x0;
	p2 =	sne.s32 s24, $0x0  }
0x5d: {  	v5 =	vmov s18;
	v4 =	vmov s20;
	s30 =	sshrl.u32 s29, $0x1C;
	s25 =	sshrl.u32 s22, $0x18;
	p1 =	por !p1, !p2  }
0x5e: {  	vm15 =	vgt.s32 v2, $0x0;
	v2 =	vor.u32 s18, v0;
	v4 =	vadd.s32 $0xFFFFFFFF, v4;
	s18 =	sadd.s32 s30, s19;
	s20 =	sadd.s32 s25, s23;
	p1 =	por !p1, !p1  }
0x5f: {  	v4 =	vbroadcast v4, $0x0;
	s26 =	sshra.s32 s20, $0x8;
	s21 =	simm.s32 @!p1 $0x0;
	p1 =	por !p5, !p6  }
0x60: {  	s20 =	ssub.s32 s26, s21;
	p1 =	por !p1, !p1;
	s21 =	simm.s32 $0x1  }
0x61: {  	v2 =	vand.u32 $0x7F, v2;
	v3 =	vadd.s32 v3, v4;
	s31 =	sshra.s32 s18, $0x4;
	s21 =	simm.s32 @!p1 $0x0;
	s18 =	sshll.u32 s20, $0x8  }
0x62: {  	v63 =	vshrl.u32 v5, $0x7;
	v2 =	vcvt.s32.f32 v2;
	s23 =	ssub.s32 s31, s21;
	s21 =	sshra.s32 s18, $0x4  }
0x63: {  	v4 =	vcvt.s32.f32 v63;
	p1 =	sge.s32 s23, s21  }
.Ltmp3:
0x64: {  	v2 =	vmul.f32 $7.812500000e-03, v2;
	(pc) =	sbr.rel @p1 .LBB2_6-.Ltmp3, $4  }
0x65: {  	v4 =	vmul.f32 $7.812500000e-03, v4  }
0x66: {  	[tilespmem:v3+s13+$0x0] =	vst.idx.msk vm15, v2  }
0x67: {  	[tilespmem:v3+s14+$0x0] =	vst.idx.msk vm15, v4  }
0x68: {  	[tilespmem:v3+s15+$0x0] =	vst.idx.msk vm15, v1  }
0x69: {  	s22 =	sshll.u32 s23, $0x6  }
0x6a: {  	s22 =	sshra.s32 s22, $0x2  }
0x6b: {  	s24 =	sadd.s32 $0x1800, s22  }
0x6c: {  	v2 =	vmov s19;
	s19 =	sadd.s32 $0x1, s23;
	v3 =	vld [tilespmem:s24+$0x0]  }
0x6d: {  	p1 =	slt.s32 s19, s21  }
.Ltmp4:
0x6e: {  	s22 =	sshll.u32 s23, $0x4;
	(pc) =	sbr.rel @!p1 .LBB2_6-.Ltmp4, $4  }
0x6f: {  	v4 =	vor.u32 s22, v0  }
0x70: {  	vm0 =	vlt.s32 v4, v2  }
0x71: {  	v3 =	vnsel vm0, $0x0, v3  }
0x72: {  	s23 =	sadd.s32 $0x10, s24;
	[tilespmem:s24+$0x0] =	vst v3  }
.LBB2_5:
0x73: {  	v3 =	vld [tilespmem:s23+$0x0];
	s19 =	sadd.s32 $0x1, s19  }
0x74: {  	p1 =	slt.s32 s19, s21  }
.Ltmp5:
0x75: {  	s22 =	sadd.s32 $0x10, s22;
	(pc) =	sbr.rel @p1 .LBB2_5-.Ltmp5, $4  }
0x76: {  	v4 =	vor.u32 s22, v0  }
0x77: {  	vm0 =	vlt.s32 v4, v2  }
0x78: {  	v3 =	vnsel vm0, $0x0, v3  }
0x79: {  	[tilespmem:s23+$0x0] =	vst v3;
	s23 =	sadd.s32 $0x10, s23  }
.LBB2_6:
0x7a: {  	[sflag:s16] =	ssyncset.done $0x0;
	s19 =	sshll.u32 s7, $0x10;
	p1 =	slt.s32 s20, $0x1  }
.Ltmp6:
0x7b: {  	[smem:s19], [sflag:$0x1] =	smem.add.s32 s18;
	(pc) =	sbr.rel @p1 .LBB2_13-.Ltmp6, $4  }
0x7c: {  	_ =	swait.done [sflag:s16]  }
0x7d: {  	s18 =	ssyncread [sflag:$0x1]  }
0x7e: {  	[sflag:s16] =	ssyncset.s32 $0x0  }
0x7f: {  	[sflag:s16] =	ssyncset.done $0x0  }
0x80: {  	p2 =	sne.s32 s20, $0x1  }
.Ltmp7:
0x81: {  	_ = 	snop;
	(pc) =	sbr.rel @!p2 .LBB2_8-.Ltmp7, $4  }
0x82: {  	_ = 	snop  }
0x83: {  	s23 =	sadd.s32 s18, s11  }
0x84: {  	s19 =	simm.s32 $0x800;
	s21 =	simm.s32 $0x1000;
	s18 =	simm.s32 $0x1800  }
0x85: {  	s22 =	sadd.s32 $0xFFFFFFFF, s20;
	p1 =	por $0x0, $0x0;
	s20 =	sshrl.u32 s23, $0x3  }
0x86: {  	s24 =	sadd.s32 s3, s20  }
0x87: {  	[hbm4b:s24+s2] =	stream.linear.scatter [tilespmem:s19], [sflag:$0x2], $0x100, $0x38;
	[tilespmem:$0x2080] =	vst v63  }
0x88: {  	_ =	swait.ge [sflag:s12], $0x100  }
0x89: {  	[sflag:s12] =	ssyncset.done $0x0  }
0x8a: {  	s30 =	sadd.s32 s5, s20;
	[sflag:s12] =	ssyncadd.s32 $0xFFFFFF00  }
0x8b: {  	[hbm4b:s30+s2] =	stream.linear.scatter [tilespmem:s21], [sflag:$0x2], $0x100, $0x38;
	[tilespmem:$0x2080] =	vst v63  }
0x8c: {  	p2 =	sne.s32 s22, $0x1;
	s31 =	sadd.s32 s6, s20;
	_ =	swait.ge [sflag:s12], $0x100  }
.Ltmp8:
0x8d: {  	s22 =	sadd.s32 $0xFFFFFFFF, s22;
	[sflag:s12] =	ssyncset.done $0x0;
	(pc) =	sbr.rel @!p2 .LBB2_10-.Ltmp8, $4  }
0x8e: {  	s23 =	sadd.s32 $0x100, s23;
	p1 =	por $0x1, $0x1;
	[sflag:s12] =	ssyncadd.s32 $0xFFFFFF00  }
0x8f: {  	[hbm4b:s31+s2] =	stream.linear.scatter [tilespmem:s18], [sflag:$0x2], $0x100, $0x38;
	[tilespmem:$0x2080] =	vst v63  }
0x90: {  	s20 =	sshrl.u32 s23, $0x3;
	s24 =	simm.s32 $0x800;
	_ =	swait.ge [sflag:s12], $0x100  }
0x91: {  	s21 =	simm.s32 $0x1100;
	s18 =	simm.s32 $0x1900;
	[sflag:s12] =	ssyncset.done $0x0  }
.LBB2_11:
0x92: {  	s25 =	sadd.s32 s3, s20;
	[sflag:s12] =	ssyncadd.s32 $0xFFFFFF00;
	s24 =	sadd.s32 $0x100, s24  }
0x93: {  	[hbm4b:s25+s2] =	stream.linear.scatter [tilespmem:s24], [sflag:$0x2], $0x100, $0x38;
	[tilespmem:$0x2080] =	vst v63  }
0x94: {  	p2 =	sne.s32 s22, $0x1;
	s22 =	sadd.s32 $0xFFFFFFFF, s22;
	_ =	swait.ge [sflag:s12], $0x100  }
0x95: {  	[sflag:s12] =	ssyncset.done $0x0  }
0x96: {  	s25 =	sadd.s32 s5, s20;
	[sflag:s12] =	ssyncadd.s32 $0xFFFFFF00  }
0x97: {  	[hbm4b:s25+s2] =	stream.linear.scatter [tilespmem:s21], [sflag:$0x2], $0x100, $0x38;
	[tilespmem:$0x2080] =	vst v63  }
0x98: {  	_ =	swait.ge [sflag:s12], $0x100  }
.Ltmp9:
0x99: {  	[sflag:s12] =	ssyncset.done $0x0;
	(pc) =	sbr.rel @p2 .LBB2_11-.Ltmp9, $4  }
0x9a: {  	s20 =	sadd.s32 s6, s20;
	[sflag:s12] =	ssyncadd.s32 $0xFFFFFF00  }
0x9b: {  	[hbm4b:s20+s2] =	stream.linear.scatter [tilespmem:s18], [sflag:$0x2], $0x100, $0x38;
	[tilespmem:$0x2080] =	vst v63  }
0x9c: {  	s23 =	sadd.s32 $0x100, s23;
	s18 =	sadd.s32 $0x100, s18;
	_ =	swait.ge [sflag:s12], $0x100  }
0x9d: {  	s21 =	sadd.s32 $0x100, s21;
	s20 =	sshrl.u32 s23, $0x3;
	[sflag:s12] =	ssyncset.done $0x0  }
.Ltmp10:
0x9e: {  	_ = 	snop;
	(pc) =	sbr.rel .LBB2_12-.Ltmp10, $1  }
0x9f: {  	_ =	sdelay $0x3  }
.LBB2_10:
.Ltmp11:
0xa0: {  	(pc) =	sbr.rel .LBB2_12-.Ltmp11, $2  }
0xa1: {  	_ =	sdelay $0x2  }
0xa2: {  	s24 =	simm.s32 $0x800  }
.LBB2_14:
0xa3: {  	_ =	sfence.sel $0x180000  }
0xa4: {  	[bflag:$0x0] =	sbarrier.arrive $0xFFFF  }
0xa5: {  	p0 =	sne.s32 s1, $0x0;
	_ =	strace $0x90000047  }
0xa6: {  	s0 =	sadd.s32 @!p0 $0x100000, s0;
	[bflag:$0x2] =	sbarrier.arrive $0xFFFF  }
0xa7: {  	[sflag:s0] =	ssyncadd.tile.s32 @!p0 $0x1;
	_ =	shalt  }
.Lfunc_end2:
_tile_overlayer_lowered:
.L_overlay_start_2:
0xa8: {  	(tag) =	ssettag $0x2  }
0xa9: {  	s0 =	rddreg [dreg:$0x0];
	s2 =	stileid.u32  }
0xaa: {  	s1 =	rddreg [dreg:$0x1];
	p0 =	sne.s32 s2, $0x0  }
0xab: {  	s3 =	rddreg [dreg:$0x2];
	[bflag:$0x3] =	sbarrier.arrive $0xFFFF;
	s2 =	simm.s32 @!p0 $0x1C01  }
0xac: {  	[timem:s3], [sflag:s2] =	dma.local @!p0 [hbm:s0], s1  }
0xad: {  	s0 =	simm.s32 @!p0 $0x1  }
0xae: {  	_ =	swait.ge @!p0 [sflag:s0], s1  }
0xaf: {  	s1 =	ssub.s32 @!p0 $0x0, s1;
	[sflag:s0] =	ssyncset.done @!p0 $0x0  }
0xb0: {  	[sflag:s0] =	ssyncadd.s32 @!p0 s1  }
0xb1: {  	[bflag:$0x3] =	sbarrier.arrive $0xFFFF  }
0xb2: {  	_ =	shalt  }

</sc_bundles>
